<compile_context>
chip_gen: v7x
topology: tpu7x:2x2x1
jax: 0.10.2.dev20260603
libtpu: 0.0.44.dev20260713+nightly
codegen_flags: <defaults>
</compile_context>

<pallas_src>
import jax
import jax.numpy as jnp
from jax import lax
from jax.experimental import pallas as pl
from jax.experimental.pallas import tpu as pltpu
from jax.experimental.pallas import tpu_sc as plsc

B, L, V, D = 4096, 200, 100000, 128
LANES = 16
NW = 32
N_PER_W = (B * L) // NW
C = 64
G = N_PER_W // C
NBUF = 4


def _body(tok_hbm, idx_hbm, pos_hbm, out_hbm,
          idx_v, pos_v, rows, obuf, semg, sems):
    wid = lax.axis_index("s") * 2 + lax.axis_index("c")
    wbase = wid * N_PER_W

    pltpu.sync_copy(idx_hbm.at[pl.ds(wbase, N_PER_W)], idx_v)

    def start_gather(g, b):
        pltpu.async_copy(tok_hbm.at[idx_v.at[pl.ds(g * C, C)]], rows[b], semg[b])

    def gather_wait(b):
        pltpu.make_async_copy(tok_hbm.at[pl.ds(0, C)], rows[b], semg[b]).wait()

    def scatter_wait(b):
        pltpu.make_async_copy(obuf[b], out_hbm.at[pl.ds(0, C)], sems[b]).wait()

    for b in range(NBUF):
        start_gather(b, b)
    pltpu.sync_copy(pos_hbm, pos_v)

    def outer(go, _):
        for b in range(NBUF):
            g = go * NBUF + b
            gather_wait(b)

            @pl.when(go > 0)
            def _():
                scatter_wait(b)

            @plsc.parallel_loop(0, C, 1, unroll=4)
            def row(r):
                lr = lax.rem(g * C + r, L)
                for c in range(D // LANES):
                    sl = pl.ds(c * LANES, LANES)
                    obuf[b][r, sl] = rows[b][r, sl] + pos_v[lr, sl]

            @pl.when(g + NBUF < G)
            def _():
                start_gather(g + NBUF, b)

            pltpu.async_copy(obuf[b], out_hbm.at[pl.ds(wbase + g * C, C)], sems[b])
        return 0

    lax.fori_loop(0, G // NBUF, outer, 0)
    for b in range(NBUF):
        scatter_wait(b)


@jax.jit
def _embed(idx_flat, token_table, pos_table):
    mesh = plsc.VectorSubcoreMesh(core_axis_name="c", subcore_axis_name="s")
    k = pl.kernel(
        _body,
        out_type=jax.ShapeDtypeStruct((B * L, D), jnp.float32),
        mesh=mesh,
        scratch_types=[
            pltpu.VMEM((N_PER_W,), jnp.int32),
            pltpu.VMEM((L, D), jnp.float32),
            [pltpu.VMEM((C, D), jnp.float32) for _ in range(NBUF)],
            [pltpu.VMEM((C, D), jnp.float32) for _ in range(NBUF)],
            [pltpu.SemaphoreType.DMA for _ in range(NBUF)],
            [pltpu.SemaphoreType.DMA for _ in range(NBUF)],
        ],
    )
    return k(token_table, idx_flat, pos_table)


def kernel(inputs, token_table, pos_table):
    idx_flat = inputs.reshape(B * L).astype(jnp.int32)
    out = _embed(idx_flat, token_table, pos_table)
    return out.reshape(B, L, D)

# --- scband reference (transcript-rebuilt; emitter-appended) ---
"""Pipeline reference for scband-positional-embedding-63342177681724 (READ-ONLY COPY).

The authoritative reference and input builder live on the scoring server;
editing this copy changes nothing except your own understanding.
"""

import jax, jax.numpy as jnp
import numpy as np

B, L, V, D = 4096, 200, 100000, 128

def setup_inputs(seed: int = 0) -> dict:
    key = jax.random.key(seed)
    k1, k2, k3 = jax.random.split(key, 3)
    inputs = jax.random.randint(k1, (B, L), 0, V, dtype=jnp.int64 if jax.config.jax_enable_x64 else jnp.int32)
    token_table = jax.random.normal(k2, (V, D), dtype=jnp.float32) * 0.02
    pos_table = jax.random.normal(k3, (L, D), dtype=jnp.float32) * 0.02
    return {"inputs": inputs, "token_table": token_table, "pos_table": pos_table}

def reference(inputs, token_table, pos_table):
    length = inputs.shape[-1]
    positions = jnp.arange(0, length, 1)
    embedded_tokens = jnp.take(token_table, inputs, axis=0)
    embedded_positions = jnp.take(pos_table, positions, axis=0)
    return embedded_tokens + embedded_positions

if __name__ == "__main__":
    import jax
    _d = setup_inputs()
    print(jax.jit(kernel)(*tuple(_d.values())))

</pallas_src>

<mosaic_0001>
#map = affine_map<(d0, d1) -> (0, 0)>
#map1 = affine_map<(d0, d1) -> (0)>
module attributes {stable_mosaic.version = 14 : i64} {
  func.func @_body(%arg0: i32, %arg1: i32, %arg2: memref<100000x128xf32, #tpu.memory_space<hbm>>, %arg3: memref<819200xi32, #tpu.memory_space<hbm>>, %arg4: memref<200x128xf32, #tpu.memory_space<hbm>>, %arg5: memref<819200x128xf32, #tpu.memory_space<hbm>>, %arg6: memref<25600xi32, #tpu.memory_space<vmem>>, %arg7: memref<200x128xf32, #tpu.memory_space<vmem>>, %arg8: memref<64x128xf32, #tpu.memory_space<vmem>>, %arg9: memref<64x128xf32, #tpu.memory_space<vmem>>, %arg10: memref<64x128xf32, #tpu.memory_space<vmem>>, %arg11: memref<64x128xf32, #tpu.memory_space<vmem>>, %arg12: memref<64x128xf32, #tpu.memory_space<vmem>>, %arg13: memref<64x128xf32, #tpu.memory_space<vmem>>, %arg14: memref<64x128xf32, #tpu.memory_space<vmem>>, %arg15: memref<64x128xf32, #tpu.memory_space<vmem>>, %arg16: memref<!tpu.dma_semaphore, #tpu.memory_space<semaphore_mem>>, %arg17: memref<!tpu.dma_semaphore, #tpu.memory_space<semaphore_mem>>, %arg18: memref<!tpu.dma_semaphore, #tpu.memory_space<semaphore_mem>>, %arg19: memref<!tpu.dma_semaphore, #tpu.memory_space<semaphore_mem>>, %arg20: memref<!tpu.dma_semaphore, #tpu.memory_space<semaphore_mem>>, %arg21: memref<!tpu.dma_semaphore, #tpu.memory_space<semaphore_mem>>, %arg22: memref<!tpu.dma_semaphore, #tpu.memory_space<semaphore_mem>>, %arg23: memref<!tpu.dma_semaphore, #tpu.memory_space<semaphore_mem>>) attributes {dimension_semantics = [#tpu.dimension_semantics<core_parallel>, #tpu.dimension_semantics<subcore_parallel>], iteration_bounds = array<i64: 2, 16>, scalar_prefetch = 0 : i64, scratch_operands = 18 : i64, tpu.core_type = #tpu.core_type<sc_vector_subcore>, window_params = [{transform_indices = #map}, {transform_indices = #map1}, {transform_indices = #map}, {transform_indices = #map}]} {
    %mul3A = arith.constant 2 : i32
    %mul3A_0 = arith.muli %arg1, %mul3A : i32
    %add3A = arith.addi %mul3A_0, %arg0 : i32
    %mul3A_1 = arith.constant 25600 : i32
    %mul3A_2 = arith.muli %add3A, %mul3A_1 : i32
    "tpu.region"() ({
      %run_scoped3A = tpu.sem_alloc : memref<!tpu.dma_semaphore, #tpu.memory_space<semaphore_mem>>
      %dma_start3A_51 = tpu.memref_slice %arg3[%mul3A_2] : memref<819200xi32, #tpu.memory_space<hbm>> -> memref<25600xi32, #tpu.memory_space<hbm>>
      %dma_start3A_52 = tpu.memref_slice %arg3[%mul3A_2] : memref<819200xi32, #tpu.memory_space<hbm>> -> memref<25600xi32, #tpu.memory_space<hbm>>
      tpu.enqueue_dma source(%dma_start3A_52 : memref<25600xi32, #tpu.memory_space<hbm>>) target(%arg6 : memref<25600xi32, #tpu.memory_space<vmem>>) target_semaphore(%run_scoped3A : memref<!tpu.dma_semaphore, #tpu.memory_space<semaphore_mem>>)
      %dma_wait3A_53 = tpu.memref_slice %arg3[%mul3A_2] : memref<819200xi32, #tpu.memory_space<hbm>> -> memref<25600xi32, #tpu.memory_space<hbm>>
      %dma_wait3A_54 = tpu.memref_slice %arg3[%mul3A_2] : memref<819200xi32, #tpu.memory_space<hbm>> -> memref<25600xi32, #tpu.memory_space<hbm>>
      tpu.wait_dma2 semaphore(%run_scoped3A : memref<!tpu.dma_semaphore, #tpu.memory_space<semaphore_mem>>) src(%dma_wait3A_54 : memref<25600xi32, #tpu.memory_space<hbm>>) dst(%arg6 : memref<25600xi32, #tpu.memory_space<vmem>>)
      tpu.yield
    }) : () -> ()
    %dma_start3A = arith.constant 0 : i32
    %dma_start3A_3 = tpu.memref_slice %arg6[%dma_start3A] : memref<25600xi32, #tpu.memory_space<vmem>> -> memref<64xi32, #tpu.memory_space<vmem>>
    %dma_start3A_4 = arith.constant 0 : i32
    %dma_start3A_5 = arith.constant 0 : i32
    %dma_start3A_6 = tpu.memref_slice %arg2[%dma_start3A_4, %dma_start3A_5] : memref<100000x128xf32, #tpu.memory_space<hbm>> -> memref<100000x128xf32, #tpu.memory_space<hbm>>
    tpu.enqueue_indirect_dma source(%dma_start3A_6 : memref<100000x128xf32, #tpu.memory_space<hbm>>) target(%arg8 : memref<64x128xf32, #tpu.memory_space<vmem>>) offsets(%dma_start3A_3 : memref<64xi32, #tpu.memory_space<vmem>>) semaphore(%arg16 : memref<!tpu.dma_semaphore, #tpu.memory_space<semaphore_mem>>)
    %dma_start3A_7 = arith.constant 64 : i32
    %dma_start3A_8 = tpu.memref_slice %arg6[%dma_start3A_7] : memref<25600xi32, #tpu.memory_space<vmem>> -> memref<64xi32, #tpu.memory_space<vmem>>
    %dma_start3A_9 = arith.constant 0 : i32
    %dma_start3A_10 = arith.constant 0 : i32
    %dma_start3A_11 = tpu.memref_slice %arg2[%dma_start3A_9, %dma_start3A_10] : memref<100000x128xf32, #tpu.memory_space<hbm>> -> memref<100000x128xf32, #tpu.memory_space<hbm>>
    tpu.enqueue_indirect_dma source(%dma_start3A_11 : memref<100000x128xf32, #tpu.memory_space<hbm>>) target(%arg9 : memref<64x128xf32, #tpu.memory_space<vmem>>) offsets(%dma_start3A_8 : memref<64xi32, #tpu.memory_space<vmem>>) semaphore(%arg17 : memref<!tpu.dma_semaphore, #tpu.memory_space<semaphore_mem>>)
    %dma_start3A_12 = arith.constant 128 : i32
    %dma_start3A_13 = tpu.memref_slice %arg6[%dma_start3A_12] : memref<25600xi32, #tpu.memory_space<vmem>> -> memref<64xi32, #tpu.memory_space<vmem>>
    %dma_start3A_14 = arith.constant 0 : i32
    %dma_start3A_15 = arith.constant 0 : i32
    %dma_start3A_16 = tpu.memref_slice %arg2[%dma_start3A_14, %dma_start3A_15] : memref<100000x128xf32, #tpu.memory_space<hbm>> -> memref<100000x128xf32, #tpu.memory_space<hbm>>
    tpu.enqueue_indirect_dma source(%dma_start3A_16 : memref<100000x128xf32, #tpu.memory_space<hbm>>) target(%arg10 : memref<64x128xf32, #tpu.memory_space<vmem>>) offsets(%dma_start3A_13 : memref<64xi32, #tpu.memory_space<vmem>>) semaphore(%arg18 : memref<!tpu.dma_semaphore, #tpu.memory_space<semaphore_mem>>)
    %dma_start3A_17 = arith.constant 192 : i32
    %dma_start3A_18 = tpu.memref_slice %arg6[%dma_start3A_17] : memref<25600xi32, #tpu.memory_space<vmem>> -> memref<64xi32, #tpu.memory_space<vmem>>
    %dma_start3A_19 = arith.constant 0 : i32
    %dma_start3A_20 = arith.constant 0 : i32
    %dma_start3A_21 = tpu.memref_slice %arg2[%dma_start3A_19, %dma_start3A_20] : memref<100000x128xf32, #tpu.memory_space<hbm>> -> memref<100000x128xf32, #tpu.memory_space<hbm>>
    tpu.enqueue_indirect_dma source(%dma_start3A_21 : memref<100000x128xf32, #tpu.memory_space<hbm>>) target(%arg11 : memref<64x128xf32, #tpu.memory_space<vmem>>) offsets(%dma_start3A_18 : memref<64xi32, #tpu.memory_space<vmem>>) semaphore(%arg19 : memref<!tpu.dma_semaphore, #tpu.memory_space<semaphore_mem>>)
    "tpu.region"() ({
      %run_scoped3A = tpu.sem_alloc : memref<!tpu.dma_semaphore, #tpu.memory_space<semaphore_mem>>
      tpu.enqueue_dma source(%arg4 : memref<200x128xf32, #tpu.memory_space<hbm>>) target(%arg7 : memref<200x128xf32, #tpu.memory_space<vmem>>) target_semaphore(%run_scoped3A : memref<!tpu.dma_semaphore, #tpu.memory_space<semaphore_mem>>)
      tpu.wait_dma2 semaphore(%run_scoped3A : memref<!tpu.dma_semaphore, #tpu.memory_space<semaphore_mem>>) src(%arg4 : memref<200x128xf32, #tpu.memory_space<hbm>>) dst(%arg7 : memref<200x128xf32, #tpu.memory_space<vmem>>)
      tpu.yield
    }) : () -> ()
    %scan3A = arith.constant 0 : i32
    %scan3A_22 = arith.constant 0 : i32
    %scan3A_23 = arith.constant 100 : i32
    %scan3A_24 = arith.addi %scan3A_22, %scan3A_23 : i32
    %scan3A_25 = arith.constant 1 : i32
    %scan3A_26 = scf.for %scan3A_51 = %scan3A_22 to %scan3A_24 step %scan3A_25 iter_args(%scan3A_52 = %scan3A) -> (i32)  : i32 {
      %mul3A_53 = arith.constant 4 : i32
      %mul3A_54 = arith.muli %scan3A_51, %mul3A_53 : i32
      %add3A_55 = arith.constant 0 : i32
      %add3A_56 = arith.addi %mul3A_54, %add3A_55 : i32
      %dma_wait3A_57 = arith.constant 0 : i32
      %dma_wait3A_58 = arith.constant 0 : i32
      %dma_wait3A_59 = tpu.memref_slice %arg2[%dma_wait3A_57, %dma_wait3A_58] : memref<100000x128xf32, #tpu.memory_space<hbm>> -> memref<64x128xf32, #tpu.memory_space<hbm>>
      %dma_wait3A_60 = arith.constant 0 : i32
      %dma_wait3A_61 = arith.constant 0 : i32
      %dma_wait3A_62 = tpu.memref_slice %arg2[%dma_wait3A_60, %dma_wait3A_61] : memref<100000x128xf32, #tpu.memory_space<hbm>> -> memref<64x128xf32, #tpu.memory_space<hbm>>
      tpu.wait_dma2 semaphore(%arg16 : memref<!tpu.dma_semaphore, #tpu.memory_space<semaphore_mem>>) src(%dma_wait3A_62 : memref<64x128xf32, #tpu.memory_space<hbm>>) dst(%arg8 : memref<64x128xf32, #tpu.memory_space<vmem>>)
      %gt3A = arith.constant 0 : i32
      %gt3A_63 = arith.cmpi sgt, %scan3A_51, %gt3A : i32
      %convert_element_type3A = arith.extui %gt3A_63 : i1 to i32
      %cond3A = arith.constant 0 : i32
      %cond3A_64 = arith.cmpi ne, %convert_element_type3A, %cond3A : i32
      scf.if %cond3A_64 {
        %dma_wait3A_177 = arith.constant 0 : i32
        %dma_wait3A_178 = arith.constant 0 : i32
        %dma_wait3A_179 = tpu.memref_slice %arg5[%dma_wait3A_177, %dma_wait3A_178] : memref<819200x128xf32, #tpu.memory_space<hbm>> -> memref<64x128xf32, #tpu.memory_space<hbm>>
        %dma_wait3A_180 = arith.constant 0 : i32
        %dma_wait3A_181 = arith.constant 0 : i32
        %dma_wait3A_182 = tpu.memref_slice %arg5[%dma_wait3A_180, %dma_wait3A_181] : memref<819200x128xf32, #tpu.memory_space<hbm>> -> memref<64x128xf32, #tpu.memory_space<hbm>>
        tpu.wait_dma2 semaphore(%arg20 : memref<!tpu.dma_semaphore, #tpu.memory_space<semaphore_mem>>) src(%arg12 : memref<64x128xf32, #tpu.memory_space<vmem>>) dst(%dma_wait3A_182 : memref<64x128xf32, #tpu.memory_space<hbm>>)
      } else {
      }
      %parallel_loop3A = arith.constant 0 : i32
      %parallel_loop3A_65 = arith.constant 64 : i32
      %parallel_loop3A_66 = arith.constant 1 : i32
      scf.for %parallel_loop3A_177 = %parallel_loop3A to %parallel_loop3A_65 step %parallel_loop3A_66  : i32 {
        %parallel_loop3A_178 = arith.constant 64 : i32
        %parallel_loop3A_179 = arith.muli %add3A_56, %parallel_loop3A_178 : i32
        %parallel_loop3A_180 = arith.addi %parallel_loop3A_179, %parallel_loop3A_177 : i32
        %parallel_loop3A_181 = arith.constant 200 : i32
        %parallel_loop3A_182 = arith.remsi %parallel_loop3A_180, %parallel_loop3A_181 : i32
        %parallel_loop3A_183 = arith.index_cast %parallel_loop3A_177 : i32 to index
        %parallel_loop3A_184 = arith.constant 0 : index
        %parallel_loop3A_185 = tpu.vector_load %arg8[%parallel_loop3A_183, %parallel_loop3A_184] {strides = array<i32>} : memref<64x128xf32, #tpu.memory_space<vmem>>, vector<1x16xf32>,
        %parallel_loop3A_186 = vector.shape_cast %parallel_loop3A_185 : vector<1x16xf32> to vector<16xf32>
        %parallel_loop3A_187 = arith.index_cast %parallel_loop3A_182 : i32 to index
        %parallel_loop3A_188 = arith.constant 0 : index
        %parallel_loop3A_189 = tpu.vector_load %arg7[%parallel_loop3A_187, %parallel_loop3A_188] {strides = array<i32>} : memref<200x128xf32, #tpu.memory_space<vmem>>, vector<1x16xf32>,
        %parallel_loop3A_190 = vector.shape_cast %parallel_loop3A_189 : vector<1x16xf32> to vector<16xf32>
        %parallel_loop3A_191 = arith.addf %parallel_loop3A_186, %parallel_loop3A_190 : vector<16xf32>
        %parallel_loop3A_192 = arith.index_cast %parallel_loop3A_177 : i32 to index
        %parallel_loop3A_193 = arith.constant 0 : index
        %parallel_loop3A_194 = tpu.vector_load %arg12[%parallel_loop3A_192, %parallel_loop3A_193] {strides = array<i32>} : memref<64x128xf32, #tpu.memory_space<vmem>>, vector<1x16xf32>,
        %parallel_loop3A_195 = vector.shape_cast %parallel_loop3A_194 : vector<1x16xf32> to vector<16xf32>
        %parallel_loop3A_196 = vector.shape_cast %parallel_loop3A_191 : vector<16xf32> to vector<1x16xf32>
        tpu.vector_store %arg12[%parallel_loop3A_192, %parallel_loop3A_193], %parallel_loop3A_196 {strides = array<i32>} : memref<64x128xf32, #tpu.memory_space<vmem>>, vector<1x16xf32>,
        %parallel_loop3A_197 = arith.index_cast %parallel_loop3A_177 : i32 to index
        %parallel_loop3A_198 = arith.constant 16 : index
        %parallel_loop3A_199 = tpu.vector_load %arg8[%parallel_loop3A_197, %parallel_loop3A_198] {strides = array<i32>} : memref<64x128xf32, #tpu.memory_space<vmem>>, vector<1x16xf32>,
        %parallel_loop3A_200 = vector.shape_cast %parallel_loop3A_199 : vector<1x16xf32> to vector<16xf32>
        %parallel_loop3A_201 = arith.index_cast %parallel_loop3A_182 : i32 to index
        %parallel_loop3A_202 = arith.constant 16 : index
        %parallel_loop3A_203 = tpu.vector_load %arg7[%parallel_loop3A_201, %parallel_loop3A_202] {strides = array<i32>} : memref<200x128xf32, #tpu.memory_space<vmem>>, vector<1x16xf32>,
        %parallel_loop3A_204 = vector.shape_cast %parallel_loop3A_203 : vector<1x16xf32> to vector<16xf32>
        %parallel_loop3A_205 = arith.addf %parallel_loop3A_200, %parallel_loop3A_204 : vector<16xf32>
        %parallel_loop3A_206 = arith.index_cast %parallel_loop3A_177 : i32 to index
        %parallel_loop3A_207 = arith.constant 16 : index
        %parallel_loop3A_208 = tpu.vector_load %arg12[%parallel_loop3A_206, %parallel_loop3A_207] {strides = array<i32>} : memref<64x128xf32, #tpu.memory_space<vmem>>, vector<1x16xf32>,
        %parallel_loop3A_209 = vector.shape_cast %parallel_loop3A_208 : vector<1x16xf32> to vector<16xf32>
        %parallel_loop3A_210 = vector.shape_cast %parallel_loop3A_205 : vector<16xf32> to vector<1x16xf32>
        tpu.vector_store %arg12[%parallel_loop3A_206, %parallel_loop3A_207], %parallel_loop3A_210 {strides = array<i32>} : memref<64x128xf32, #tpu.memory_space<vmem>>, vector<1x16xf32>,
        %parallel_loop3A_211 = arith.index_cast %parallel_loop3A_177 : i32 to index
        %parallel_loop3A_212 = arith.constant 32 : index
        %parallel_loop3A_213 = tpu.vector_load %arg8[%parallel_loop3A_211, %parallel_loop3A_212] {strides = array<i32>} : memref<64x128xf32, #tpu.memory_space<vmem>>, vector<1x16xf32>,
        %parallel_loop3A_214 = vector.shape_cast %parallel_loop3A_213 : vector<1x16xf32> to vector<16xf32>
        %parallel_loop3A_215 = arith.index_cast %parallel_loop3A_182 : i32 to index
        %parallel_loop3A_216 = arith.constant 32 : index
        %parallel_loop3A_217 = tpu.vector_load %arg7[%parallel_loop3A_215, %parallel_loop3A_216] {strides = array<i32>} : memref<200x128xf32, #tpu.memory_space<vmem>>, vector<1x16xf32>,
        %parallel_loop3A_218 = vector.shape_cast %parallel_loop3A_217 : vector<1x16xf32> to vector<16xf32>
        %parallel_loop3A_219 = arith.addf %parallel_loop3A_214, %parallel_loop3A_218 : vector<16xf32>
        %parallel_loop3A_220 = arith.index_cast %parallel_loop3A_177 : i32 to index
        %parallel_loop3A_221 = arith.constant 32 : index
        %parallel_loop3A_222 = tpu.vector_load %arg12[%parallel_loop3A_220, %parallel_loop3A_221] {strides = array<i32>} : memref<64x128xf32, #tpu.memory_space<vmem>>, vector<1x16xf32>,
        %parallel_loop3A_223 = vector.shape_cast %parallel_loop3A_222 : vector<1x16xf32> to vector<16xf32>
        %parallel_loop3A_224 = vector.shape_cast %parallel_loop3A_219 : vector<16xf32> to vector<1x16xf32>
        tpu.vector_store %arg12[%parallel_loop3A_220, %parallel_loop3A_221], %parallel_loop3A_224 {strides = array<i32>} : memref<64x128xf32, #tpu.memory_space<vmem>>, vector<1x16xf32>,
        %parallel_loop3A_225 = arith.index_cast %parallel_loop3A_177 : i32 to index
        %parallel_loop3A_226 = arith.constant 48 : index
        %parallel_loop3A_227 = tpu.vector_load %arg8[%parallel_loop3A_225, %parallel_loop3A_226] {strides = array<i32>} : memref<64x128xf32, #tpu.memory_space<vmem>>, vector<1x16xf32>,
        %parallel_loop3A_228 = vector.shape_cast %parallel_loop3A_227 : vector<1x16xf32> to vector<16xf32>
        %parallel_loop3A_229 = arith.index_cast %parallel_loop3A_182 : i32 to index
        %parallel_loop3A_230 = arith.constant 48 : index
        %parallel_loop3A_231 = tpu.vector_load %arg7[%parallel_loop3A_229, %parallel_loop3A_230] {strides = array<i32>} : memref<200x128xf32, #tpu.memory_space<vmem>>, vector<1x16xf32>,
        %parallel_loop3A_232 = vector.shape_cast %parallel_loop3A_231 : vector<1x16xf32> to vector<16xf32>
        %parallel_loop3A_233 = arith.addf %parallel_loop3A_228, %parallel_loop3A_232 : vector<16xf32>
        %parallel_loop3A_234 = arith.index_cast %parallel_loop3A_177 : i32 to index
        %parallel_loop3A_235 = arith.constant 48 : index
        %parallel_loop3A_236 = tpu.vector_load %arg12[%parallel_loop3A_234, %parallel_loop3A_235] {strides = array<i32>} : memref<64x128xf32, #tpu.memory_space<vmem>>, vector<1x16xf32>,
        %parallel_loop3A_237 = vector.shape_cast %parallel_loop3A_236 : vector<1x16xf32> to vector<16xf32>
        %parallel_loop3A_238 = vector.shape_cast %parallel_loop3A_233 : vector<16xf32> to vector<1x16xf32>
        tpu.vector_store %arg12[%parallel_loop3A_234, %parallel_loop3A_235], %parallel_loop3A_238 {strides = array<i32>} : memref<64x128xf32, #tpu.memory_space<vmem>>, vector<1x16xf32>,
        %parallel_loop3A_239 = arith.index_cast %parallel_loop3A_177 : i32 to index
        %parallel_loop3A_240 = arith.constant 64 : index
        %parallel_loop3A_241 = tpu.vector_load %arg8[%parallel_loop3A_239, %parallel_loop3A_240] {strides = array<i32>} : memref<64x128xf32, #tpu.memory_space<vmem>>, vector<1x16xf32>,
        %parallel_loop3A_242 = vector.shape_cast %parallel_loop3A_241 : vector<1x16xf32> to vector<16xf32>
        %parallel_loop3A_243 = arith.index_cast %parallel_loop3A_182 : i32 to index
        %parallel_loop3A_244 = arith.constant 64 : index
        %parallel_loop3A_245 = tpu.vector_load %arg7[%parallel_loop3A_243, %parallel_loop3A_244] {strides = array<i32>} : memref<200x128xf32, #tpu.memory_space<vmem>>, vector<1x16xf32>,
        %parallel_loop3A_246 = vector.shape_cast %parallel_loop3A_245 : vector<1x16xf32> to vector<16xf32>
        %parallel_loop3A_247 = arith.addf %parallel_loop3A_242, %parallel_loop3A_246 : vector<16xf32>
        %parallel_loop3A_248 = arith.index_cast %parallel_loop3A_177 : i32 to index
        %parallel_loop3A_249 = arith.constant 64 : index
        %parallel_loop3A_250 = tpu.vector_load %arg12[%parallel_loop3A_248, %parallel_loop3A_249] {strides = array<i32>} : memref<64x128xf32, #tpu.memory_space<vmem>>, vector<1x16xf32>,
        %parallel_loop3A_251 = vector.shape_cast %parallel_loop3A_250 : vector<1x16xf32> to vector<16xf32>
        %parallel_loop3A_252 = vector.shape_cast %parallel_loop3A_247 : vector<16xf32> to vector<1x16xf32>
        tpu.vector_store %arg12[%parallel_loop3A_248, %parallel_loop3A_249], %parallel_loop3A_252 {strides = array<i32>} : memref<64x128xf32, #tpu.memory_space<vmem>>, vector<1x16xf32>,
        %parallel_loop3A_253 = arith.index_cast %parallel_loop3A_177 : i32 to index
        %parallel_loop3A_254 = arith.constant 80 : index
        %parallel_loop3A_255 = tpu.vector_load %arg8[%parallel_loop3A_253, %parallel_loop3A_254] {strides = array<i32>} : memref<64x128xf32, #tpu.memory_space<vmem>>, vector<1x16xf32>,
        %parallel_loop3A_256 = vector.shape_cast %parallel_loop3A_255 : vector<1x16xf32> to vector<16xf32>
        %parallel_loop3A_257 = arith.index_cast %parallel_loop3A_182 : i32 to index
        %parallel_loop3A_258 = arith.constant 80 : index
        %parallel_loop3A_259 = tpu.vector_load %arg7[%parallel_loop3A_257, %parallel_loop3A_258] {strides = array<i32>} : memref<200x128xf32, #tpu.memory_space<vmem>>, vector<1x16xf32>,
        %parallel_loop3A_260 = vector.shape_cast %parallel_loop3A_259 : vector<1x16xf32> to vector<16xf32>
        %parallel_loop3A_261 = arith.addf %parallel_loop3A_256, %parallel_loop3A_260 : vector<16xf32>
        %parallel_loop3A_262 = arith.index_cast %parallel_loop3A_177 : i32 to index
        %parallel_loop3A_263 = arith.constant 80 : index
        %parallel_loop3A_264 = tpu.vector_load %arg12[%parallel_loop3A_262, %parallel_loop3A_263] {strides = array<i32>} : memref<64x128xf32, #tpu.memory_space<vmem>>, vector<1x16xf32>,
        %parallel_loop3A_265 = vector.shape_cast %parallel_loop3A_264 : vector<1x16xf32> to vector<16xf32>
        %parallel_loop3A_266 = vector.shape_cast %parallel_loop3A_261 : vector<16xf32> to vector<1x16xf32>
        tpu.vector_store %arg12[%parallel_loop3A_262, %parallel_loop3A_263], %parallel_loop3A_266 {strides = array<i32>} : memref<64x128xf32, #tpu.memory_space<vmem>>, vector<1x16xf32>,
        %parallel_loop3A_267 = arith.index_cast %parallel_loop3A_177 : i32 to index
        %parallel_loop3A_268 = arith.constant 96 : index
        %parallel_loop3A_269 = tpu.vector_load %arg8[%parallel_loop3A_267, %parallel_loop3A_268] {strides = array<i32>} : memref<64x128xf32, #tpu.memory_space<vmem>>, vector<1x16xf32>,
        %parallel_loop3A_270 = vector.shape_cast %parallel_loop3A_269 : vector<1x16xf32> to vector<16xf32>
        %parallel_loop3A_271 = arith.index_cast %parallel_loop3A_182 : i32 to index
        %parallel_loop3A_272 = arith.constant 96 : index
        %parallel_loop3A_273 = tpu.vector_load %arg7[%parallel_loop3A_271, %parallel_loop3A_272] {strides = array<i32>} : memref<200x128xf32, #tpu.memory_space<vmem>>, vector<1x16xf32>,
        %parallel_loop3A_274 = vector.shape_cast %parallel_loop3A_273 : vector<1x16xf32> to vector<16xf32>
        %parallel_loop3A_275 = arith.addf %parallel_loop3A_270, %parallel_loop3A_274 : vector<16xf32>
        %parallel_loop3A_276 = arith.index_cast %parallel_loop3A_177 : i32 to index
        %parallel_loop3A_277 = arith.constant 96 : index
        %parallel_loop3A_278 = tpu.vector_load %arg12[%parallel_loop3A_276, %parallel_loop3A_277] {strides = array<i32>} : memref<64x128xf32, #tpu.memory_space<vmem>>, vector<1x16xf32>,
        %parallel_loop3A_279 = vector.shape_cast %parallel_loop3A_278 : vector<1x16xf32> to vector<16xf32>
        %parallel_loop3A_280 = vector.shape_cast %parallel_loop3A_275 : vector<16xf32> to vector<1x16xf32>
        tpu.vector_store %arg12[%parallel_loop3A_276, %parallel_loop3A_277], %parallel_loop3A_280 {strides = array<i32>} : memref<64x128xf32, #tpu.memory_space<vmem>>, vector<1x16xf32>,
        %parallel_loop3A_281 = arith.index_cast %parallel_loop3A_177 : i32 to index
        %parallel_loop3A_282 = arith.constant 112 : index
        %parallel_loop3A_283 = tpu.vector_load %arg8[%parallel_loop3A_281, %parallel_loop3A_282] {strides = array<i32>} : memref<64x128xf32, #tpu.memory_space<vmem>>, vector<1x16xf32>,
        %parallel_loop3A_284 = vector.shape_cast %parallel_loop3A_283 : vector<1x16xf32> to vector<16xf32>
        %parallel_loop3A_285 = arith.index_cast %parallel_loop3A_182 : i32 to index
        %parallel_loop3A_286 = arith.constant 112 : index
        %parallel_loop3A_287 = tpu.vector_load %arg7[%parallel_loop3A_285, %parallel_loop3A_286] {strides = array<i32>} : memref<200x128xf32, #tpu.memory_space<vmem>>, vector<1x16xf32>,
        %parallel_loop3A_288 = vector.shape_cast %parallel_loop3A_287 : vector<1x16xf32> to vector<16xf32>
        %parallel_loop3A_289 = arith.addf %parallel_loop3A_284, %parallel_loop3A_288 : vector<16xf32>
        %parallel_loop3A_290 = arith.index_cast %parallel_loop3A_177 : i32 to index
        %parallel_loop3A_291 = arith.constant 112 : index
        %parallel_loop3A_292 = tpu.vector_load %arg12[%parallel_loop3A_290, %parallel_loop3A_291] {strides = array<i32>} : memref<64x128xf32, #tpu.memory_space<vmem>>, vector<1x16xf32>,
        %parallel_loop3A_293 = vector.shape_cast %parallel_loop3A_292 : vector<1x16xf32> to vector<16xf32>
        %parallel_loop3A_294 = vector.shape_cast %parallel_loop3A_289 : vector<16xf32> to vector<1x16xf32>
        tpu.vector_store %arg12[%parallel_loop3A_290, %parallel_loop3A_291], %parallel_loop3A_294 {strides = array<i32>} : memref<64x128xf32, #tpu.memory_space<vmem>>, vector<1x16xf32>,
      } {sc.loop_unroll_factor = 4 : i64, sc.parallel_access}
      %add3A_67 = arith.constant 4 : i32
      %add3A_68 = arith.addi %add3A_56, %add3A_67 : i32
      %lt3A = arith.constant 400 : i32
      %lt3A_69 = arith.cmpi slt, %add3A_68, %lt3A : i32
      %convert_element_type3A_70 = arith.extui %lt3A_69 : i1 to i32
      %cond3A_71 = arith.constant 0 : i32
      %cond3A_72 = arith.cmpi ne, %convert_element_type3A_70, %cond3A_71 : i32
      scf.if %cond3A_72 {
        %add3A_177 = arith.constant 4 : i32
        %add3A_178 = arith.addi %add3A_56, %add3A_177 : i32
        %mul3A_179 = arith.constant 64 : i32
        %mul3A_180 = arith.muli %add3A_178, %mul3A_179 : i32
        %dma_start3A_181 = tpu.memref_slice %arg6[%mul3A_180] : memref<25600xi32, #tpu.memory_space<vmem>> -> memref<64xi32, #tpu.memory_space<vmem>>
        %dma_start3A_182 = arith.constant 0 : i32
        %dma_start3A_183 = arith.constant 0 : i32
        %dma_start3A_184 = tpu.memref_slice %arg2[%dma_start3A_182, %dma_start3A_183] : memref<100000x128xf32, #tpu.memory_space<hbm>> -> memref<100000x128xf32, #tpu.memory_space<hbm>>
        tpu.enqueue_indirect_dma source(%dma_start3A_184 : memref<100000x128xf32, #tpu.memory_space<hbm>>) target(%arg8 : memref<64x128xf32, #tpu.memory_space<vmem>>) offsets(%dma_start3A_181 : memref<64xi32, #tpu.memory_space<vmem>>) semaphore(%arg16 : memref<!tpu.dma_semaphore, #tpu.memory_space<semaphore_mem>>)
      } else {
      }
      %mul3A_73 = arith.constant 64 : i32
      %mul3A_74 = arith.muli %add3A_56, %mul3A_73 : i32
      %add3A_75 = arith.addi %mul3A_2, %mul3A_74 : i32
      %dma_start3A_76 = arith.constant 0 : i32
      %dma_start3A_77 = tpu.memref_slice %arg5[%add3A_75, %dma_start3A_76] : memref<819200x128xf32, #tpu.memory_space<hbm>> -> memref<64x128xf32, #tpu.memory_space<hbm>>
      %dma_start3A_78 = arith.constant 0 : i32
      %dma_start3A_79 = tpu.memref_slice %arg5[%add3A_75, %dma_start3A_78] : memref<819200x128xf32, #tpu.memory_space<hbm>> -> memref<64x128xf32, #tpu.memory_space<hbm>>
      tpu.enqueue_dma source(%arg12 : memref<64x128xf32, #tpu.memory_space<vmem>>) target(%dma_start3A_79 : memref<64x128xf32, #tpu.memory_space<hbm>>) target_semaphore(%arg20 : memref<!tpu.dma_semaphore, #tpu.memory_space<semaphore_mem>>)
      %mul3A_80 = arith.constant 4 : i32
      %mul3A_81 = arith.muli %scan3A_51, %mul3A_80 : i32
      %add3A_82 = arith.constant 1 : i32
      %add3A_83 = arith.addi %mul3A_81, %add3A_82 : i32
      %dma_wait3A_84 = arith.constant 0 : i32
      %dma_wait3A_85 = arith.constant 0 : i32
      %dma_wait3A_86 = tpu.memref_slice %arg2[%dma_wait3A_84, %dma_wait3A_85] : memref<100000x128xf32, #tpu.memory_space<hbm>> -> memref<64x128xf32, #tpu.memory_space<hbm>>
      %dma_wait3A_87 = arith.constant 0 : i32
      %dma_wait3A_88 = arith.constant 0 : i32
      %dma_wait3A_89 = tpu.memref_slice %arg2[%dma_wait3A_87, %dma_wait3A_88] : memref<100000x128xf32, #tpu.memory_space<hbm>> -> memref<64x128xf32, #tpu.memory_space<hbm>>
      tpu.wait_dma2 semaphore(%arg17 : memref<!tpu.dma_semaphore, #tpu.memory_space<semaphore_mem>>) src(%dma_wait3A_89 : memref<64x128xf32, #tpu.memory_space<hbm>>) dst(%arg9 : memref<64x128xf32, #tpu.memory_space<vmem>>)
      %gt3A_90 = arith.constant 0 : i32
      %gt3A_91 = arith.cmpi sgt, %scan3A_51, %gt3A_90 : i32
      %convert_element_type3A_92 = arith.extui %gt3A_91 : i1 to i32
      %cond3A_93 = arith.constant 0 : i32
      %cond3A_94 = arith.cmpi ne, %convert_element_type3A_92, %cond3A_93 : i32
      scf.if %cond3A_94 {
        %dma_wait3A_177 = arith.constant 0 : i32
        %dma_wait3A_178 = arith.constant 0 : i32
        %dma_wait3A_179 = tpu.memref_slice %arg5[%dma_wait3A_177, %dma_wait3A_178] : memref<819200x128xf32, #tpu.memory_space<hbm>> -> memref<64x128xf32, #tpu.memory_space<hbm>>
        %dma_wait3A_180 = arith.constant 0 : i32
        %dma_wait3A_181 = arith.constant 0 : i32
        %dma_wait3A_182 = tpu.memref_slice %arg5[%dma_wait3A_180, %dma_wait3A_181] : memref<819200x128xf32, #tpu.memory_space<hbm>> -> memref<64x128xf32, #tpu.memory_space<hbm>>
        tpu.wait_dma2 semaphore(%arg21 : memref<!tpu.dma_semaphore, #tpu.memory_space<semaphore_mem>>) src(%arg13 : memref<64x128xf32, #tpu.memory_space<vmem>>) dst(%dma_wait3A_182 : memref<64x128xf32, #tpu.memory_space<hbm>>)
      } else {
      }
      %parallel_loop3A_95 = arith.constant 0 : i32
      %parallel_loop3A_96 = arith.constant 64 : i32
      %parallel_loop3A_97 = arith.constant 1 : i32
      scf.for %parallel_loop3A_177 = %parallel_loop3A_95 to %parallel_loop3A_96 step %parallel_loop3A_97  : i32 {
        %parallel_loop3A_178 = arith.constant 64 : i32
        %parallel_loop3A_179 = arith.muli %add3A_83, %parallel_loop3A_178 : i32
        %parallel_loop3A_180 = arith.addi %parallel_loop3A_179, %parallel_loop3A_177 : i32
        %parallel_loop3A_181 = arith.constant 200 : i32
        %parallel_loop3A_182 = arith.remsi %parallel_loop3A_180, %parallel_loop3A_181 : i32
        %parallel_loop3A_183 = arith.index_cast %parallel_loop3A_177 : i32 to index
        %parallel_loop3A_184 = arith.constant 0 : index
        %parallel_loop3A_185 = tpu.vector_load %arg9[%parallel_loop3A_183, %parallel_loop3A_184] {strides = array<i32>} : memref<64x128xf32, #tpu.memory_space<vmem>>, vector<1x16xf32>,
        %parallel_loop3A_186 = vector.shape_cast %parallel_loop3A_185 : vector<1x16xf32> to vector<16xf32>
        %parallel_loop3A_187 = arith.index_cast %parallel_loop3A_182 : i32 to index
        %parallel_loop3A_188 = arith.constant 0 : index
        %parallel_loop3A_189 = tpu.vector_load %arg7[%parallel_loop3A_187, %parallel_loop3A_188] {strides = array<i32>} : memref<200x128xf32, #tpu.memory_space<vmem>>, vector<1x16xf32>,
        %parallel_loop3A_190 = vector.shape_cast %parallel_loop3A_189 : vector<1x16xf32> to vector<16xf32>
        %parallel_loop3A_191 = arith.addf %parallel_loop3A_186, %parallel_loop3A_190 : vector<16xf32>
        %parallel_loop3A_192 = arith.index_cast %parallel_loop3A_177 : i32 to index
        %parallel_loop3A_193 = arith.constant 0 : index
        %parallel_loop3A_194 = tpu.vector_load %arg13[%parallel_loop3A_192, %parallel_loop3A_193] {strides = array<i32>} : memref<64x128xf32, #tpu.memory_space<vmem>>, vector<1x16xf32>,
        %parallel_loop3A_195 = vector.shape_cast %parallel_loop3A_194 : vector<1x16xf32> to vector<16xf32>
        %parallel_loop3A_196 = vector.shape_cast %parallel_loop3A_191 : vector<16xf32> to vector<1x16xf32>
        tpu.vector_store %arg13[%parallel_loop3A_192, %parallel_loop3A_193], %parallel_loop3A_196 {strides = array<i32>} : memref<64x128xf32, #tpu.memory_space<vmem>>, vector<1x16xf32>,
        %parallel_loop3A_197 = arith.index_cast %parallel_loop3A_177 : i32 to index
        %parallel_loop3A_198 = arith.constant 16 : index
        %parallel_loop3A_199 = tpu.vector_load %arg9[%parallel_loop3A_197, %parallel_loop3A_198] {strides = array<i32>} : memref<64x128xf32, #tpu.memory_space<vmem>>, vector<1x16xf32>,
        %parallel_loop3A_200 = vector.shape_cast %parallel_loop3A_199 : vector<1x16xf32> to vector<16xf32>
        %parallel_loop3A_201 = arith.index_cast %parallel_loop3A_182 : i32 to index
        %parallel_loop3A_202 = arith.constant 16 : index
        %parallel_loop3A_203 = tpu.vector_load %arg7[%parallel_loop3A_201, %parallel_loop3A_202] {strides = array<i32>} : memref<200x128xf32, #tpu.memory_space<vmem>>, vector<1x16xf32>,
        %parallel_loop3A_204 = vector.shape_cast %parallel_loop3A_203 : vector<1x16xf32> to vector<16xf32>
        %parallel_loop3A_205 = arith.addf %parallel_loop3A_200, %parallel_loop3A_204 : vector<16xf32>
        %parallel_loop3A_206 = arith.index_cast %parallel_loop3A_177 : i32 to index
        %parallel_loop3A_207 = arith.constant 16 : index
        %parallel_loop3A_208 = tpu.vector_load %arg13[%parallel_loop3A_206, %parallel_loop3A_207] {strides = array<i32>} : memref<64x128xf32, #tpu.memory_space<vmem>>, vector<1x16xf32>,
        %parallel_loop3A_209 = vector.shape_cast %parallel_loop3A_208 : vector<1x16xf32> to vector<16xf32>
        %parallel_loop3A_210 = vector.shape_cast %parallel_loop3A_205 : vector<16xf32> to vector<1x16xf32>
        tpu.vector_store %arg13[%parallel_loop3A_206, %parallel_loop3A_207], %parallel_loop3A_210 {strides = array<i32>} : memref<64x128xf32, #tpu.memory_space<vmem>>, vector<1x16xf32>,
        %parallel_loop3A_211 = arith.index_cast %parallel_loop3A_177 : i32 to index
        %parallel_loop3A_212 = arith.constant 32 : index
        %parallel_loop3A_213 = tpu.vector_load %arg9[%parallel_loop3A_211, %parallel_loop3A_212] {strides = array<i32>} : memref<64x128xf32, #tpu.memory_space<vmem>>, vector<1x16xf32>,
        %parallel_loop3A_214 = vector.shape_cast %parallel_loop3A_213 : vector<1x16xf32> to vector<16xf32>
        %parallel_loop3A_215 = arith.index_cast %parallel_loop3A_182 : i32 to index
        %parallel_loop3A_216 = arith.constant 32 : index
        %parallel_loop3A_217 = tpu.vector_load %arg7[%parallel_loop3A_215, %parallel_loop3A_216] {strides = array<i32>} : memref<200x128xf32, #tpu.memory_space<vmem>>, vector<1x16xf32>,
        %parallel_loop3A_218 = vector.shape_cast %parallel_loop3A_217 : vector<1x16xf32> to vector<16xf32>
        %parallel_loop3A_219 = arith.addf %parallel_loop3A_214, %parallel_loop3A_218 : vector<16xf32>
        %parallel_loop3A_220 = arith.index_cast %parallel_loop3A_177 : i32 to index
        %parallel_loop3A_221 = arith.constant 32 : index
        %parallel_loop3A_222 = tpu.vector_load %arg13[%parallel_loop3A_220, %parallel_loop3A_221] {strides = array<i32>} : memref<64x128xf32, #tpu.memory_space<vmem>>, vector<1x16xf32>,
        %parallel_loop3A_223 = vector.shape_cast %parallel_loop3A_222 : vector<1x16xf32> to vector<16xf32>
        %parallel_loop3A_224 = vector.shape_cast %parallel_loop3A_219 : vector<16xf32> to vector<1x16xf32>
        tpu.vector_store %arg13[%parallel_loop3A_220, %parallel_loop3A_221], %parallel_loop3A_224 {strides = array<i32>} : memref<64x128xf32, #tpu.memory_space<vmem>>, vector<1x16xf32>,
        %parallel_loop3A_225 = arith.index_cast %parallel_loop3A_177 : i32 to index
        %parallel_loop3A_226 = arith.constant 48 : index
        %parallel_loop3A_227 = tpu.vector_load %arg9[%parallel_loop3A_225, %parallel_loop3A_226] {strides = array<i32>} : memref<64x128xf32, #tpu.memory_space<vmem>>, vector<1x16xf32>,
        %parallel_loop3A_228 = vector.shape_cast %parallel_loop3A_227 : vector<1x16xf32> to vector<16xf32>
        %parallel_loop3A_229 = arith.index_cast %parallel_loop3A_182 : i32 to index
        %parallel_loop3A_230 = arith.constant 48 : index
        %parallel_loop3A_231 = tpu.vector_load %arg7[%parallel_loop3A_229, %parallel_loop3A_230] {strides = array<i32>} : memref<200x128xf32, #tpu.memory_space<vmem>>, vector<1x16xf32>,
        %parallel_loop3A_232 = vector.shape_cast %parallel_loop3A_231 : vector<1x16xf32> to vector<16xf32>
        %parallel_loop3A_233 = arith.addf %parallel_loop3A_228, %parallel_loop3A_232 : vector<16xf32>
        %parallel_loop3A_234 = arith.index_cast %parallel_loop3A_177 : i32 to index
        %parallel_loop3A_235 = arith.constant 48 : index
        %parallel_loop3A_236 = tpu.vector_load %arg13[%parallel_loop3A_234, %parallel_loop3A_235] {strides = array<i32>} : memref<64x128xf32, #tpu.memory_space<vmem>>, vector<1x16xf32>,
        %parallel_loop3A_237 = vector.shape_cast %parallel_loop3A_236 : vector<1x16xf32> to vector<16xf32>
        %parallel_loop3A_238 = vector.shape_cast %parallel_loop3A_233 : vector<16xf32> to vector<1x16xf32>
        tpu.vector_store %arg13[%parallel_loop3A_234, %parallel_loop3A_235], %parallel_loop3A_238 {strides = array<i32>} : memref<64x128xf32, #tpu.memory_space<vmem>>, vector<1x16xf32>,
        %parallel_loop3A_239 = arith.index_cast %parallel_loop3A_177 : i32 to index
        %parallel_loop3A_240 = arith.constant 64 : index
        %parallel_loop3A_241 = tpu.vector_load %arg9[%parallel_loop3A_239, %parallel_loop3A_240] {strides = array<i32>} : memref<64x128xf32, #tpu.memory_space<vmem>>, vector<1x16xf32>,
        %parallel_loop3A_242 = vector.shape_cast %parallel_loop3A_241 : vector<1x16xf32> to vector<16xf32>
        %parallel_loop3A_243 = arith.index_cast %parallel_loop3A_182 : i32 to index
        %parallel_loop3A_244 = arith.constant 64 : index
        %parallel_loop3A_245 = tpu.vector_load %arg7[%parallel_loop3A_243, %parallel_loop3A_244] {strides = array<i32>} : memref<200x128xf32, #tpu.memory_space<vmem>>, vector<1x16xf32>,
        %parallel_loop3A_246 = vector.shape_cast %parallel_loop3A_245 : vector<1x16xf32> to vector<16xf32>
        %parallel_loop3A_247 = arith.addf %parallel_loop3A_242, %parallel_loop3A_246 : vector<16xf32>
        %parallel_loop3A_248 = arith.index_cast %parallel_loop3A_177 : i32 to index
        %parallel_loop3A_249 = arith.constant 64 : index
        %parallel_loop3A_250 = tpu.vector_load %arg13[%parallel_loop3A_248, %parallel_loop3A_249] {strides = array<i32>} : memref<64x128xf32, #tpu.memory_space<vmem>>, vector<1x16xf32>,
        %parallel_loop3A_251 = vector.shape_cast %parallel_loop3A_250 : vector<1x16xf32> to vector<16xf32>
        %parallel_loop3A_252 = vector.shape_cast %parallel_loop3A_247 : vector<16xf32> to vector<1x16xf32>
        tpu.vector_store %arg13[%parallel_loop3A_248, %parallel_loop3A_249], %parallel_loop3A_252 {strides = array<i32>} : memref<64x128xf32, #tpu.memory_space<vmem>>, vector<1x16xf32>,
        %parallel_loop3A_253 = arith.index_cast %parallel_loop3A_177 : i32 to index
        %parallel_loop3A_254 = arith.constant 80 : index
        %parallel_loop3A_255 = tpu.vector_load %arg9[%parallel_loop3A_253, %parallel_loop3A_254] {strides = array<i32>} : memref<64x128xf32, #tpu.memory_space<vmem>>, vector<1x16xf32>,
        %parallel_loop3A_256 = vector.shape_cast %parallel_loop3A_255 : vector<1x16xf32> to vector<16xf32>
        %parallel_loop3A_257 = arith.index_cast %parallel_loop3A_182 : i32 to index
        %parallel_loop3A_258 = arith.constant 80 : index
        %parallel_loop3A_259 = tpu.vector_load %arg7[%parallel_loop3A_257, %parallel_loop3A_258] {strides = array<i32>} : memref<200x128xf32, #tpu.memory_space<vmem>>, vector<1x16xf32>,
        %parallel_loop3A_260 = vector.shape_cast %parallel_loop3A_259 : vector<1x16xf32> to vector<16xf32>
        %parallel_loop3A_261 = arith.addf %parallel_loop3A_256, %parallel_loop3A_260 : vector<16xf32>
        %parallel_loop3A_262 = arith.index_cast %parallel_loop3A_177 : i32 to index
        %parallel_loop3A_263 = arith.constant 80 : index
        %parallel_loop3A_264 = tpu.vector_load %arg13[%parallel_loop3A_262, %parallel_loop3A_263] {strides = array<i32>} : memref<64x128xf32, #tpu.memory_space<vmem>>, vector<1x16xf32>,
        %parallel_loop3A_265 = vector.shape_cast %parallel_loop3A_264 : vector<1x16xf32> to vector<16xf32>
        %parallel_loop3A_266 = vector.shape_cast %parallel_loop3A_261 : vector<16xf32> to vector<1x16xf32>
        tpu.vector_store %arg13[%parallel_loop3A_262, %parallel_loop3A_263], %parallel_loop3A_266 {strides = array<i32>} : memref<64x128xf32, #tpu.memory_space<vmem>>, vector<1x16xf32>,
        %parallel_loop3A_267 = arith.index_cast %parallel_loop3A_177 : i32 to index
        %parallel_loop3A_268 = arith.constant 96 : index
        %parallel_loop3A_269 = tpu.vector_load %arg9[%parallel_loop3A_267, %parallel_loop3A_268] {strides = array<i32>} : memref<64x128xf32, #tpu.memory_space<vmem>>, vector<1x16xf32>,
        %parallel_loop3A_270 = vector.shape_cast %parallel_loop3A_269 : vector<1x16xf32> to vector<16xf32>
        %parallel_loop3A_271 = arith.index_cast %parallel_loop3A_182 : i32 to index
        %parallel_loop3A_272 = arith.constant 96 : index
        %parallel_loop3A_273 = tpu.vector_load %arg7[%parallel_loop3A_271, %parallel_loop3A_272] {strides = array<i32>} : memref<200x128xf32, #tpu.memory_space<vmem>>, vector<1x16xf32>,
        %parallel_loop3A_274 = vector.shape_cast %parallel_loop3A_273 : vector<1x16xf32> to vector<16xf32>
        %parallel_loop3A_275 = arith.addf %parallel_loop3A_270, %parallel_loop3A_274 : vector<16xf32>
        %parallel_loop3A_276 = arith.index_cast %parallel_loop3A_177 : i32 to index
        %parallel_loop3A_277 = arith.constant 96 : index
        %parallel_loop3A_278 = tpu.vector_load %arg13[%parallel_loop3A_276, %parallel_loop3A_277] {strides = array<i32>} : memref<64x128xf32, #tpu.memory_space<vmem>>, vector<1x16xf32>,
        %parallel_loop3A_279 = vector.shape_cast %parallel_loop3A_278 : vector<1x16xf32> to vector<16xf32>
        %parallel_loop3A_280 = vector.shape_cast %parallel_loop3A_275 : vector<16xf32> to vector<1x16xf32>
        tpu.vector_store %arg13[%parallel_loop3A_276, %parallel_loop3A_277], %parallel_loop3A_280 {strides = array<i32>} : memref<64x128xf32, #tpu.memory_space<vmem>>, vector<1x16xf32>,
        %parallel_loop3A_281 = arith.index_cast %parallel_loop3A_177 : i32 to index
        %parallel_loop3A_282 = arith.constant 112 : index
        %parallel_loop3A_283 = tpu.vector_load %arg9[%parallel_loop3A_281, %parallel_loop3A_282] {strides = array<i32>} : memref<64x128xf32, #tpu.memory_space<vmem>>, vector<1x16xf32>,
        %parallel_loop3A_284 = vector.shape_cast %parallel_loop3A_283 : vector<1x16xf32> to vector<16xf32>
        %parallel_loop3A_285 = arith.index_cast %parallel_loop3A_182 : i32 to index
        %parallel_loop3A_286 = arith.constant 112 : index
        %parallel_loop3A_287 = tpu.vector_load %arg7[%parallel_loop3A_285, %parallel_loop3A_286] {strides = array<i32>} : memref<200x128xf32, #tpu.memory_space<vmem>>, vector<1x16xf32>,
        %parallel_loop3A_288 = vector.shape_cast %parallel_loop3A_287 : vector<1x16xf32> to vector<16xf32>
        %parallel_loop3A_289 = arith.addf %parallel_loop3A_284, %parallel_loop3A_288 : vector<16xf32>
        %parallel_loop3A_290 = arith.index_cast %parallel_loop3A_177 : i32 to index
        %parallel_loop3A_291 = arith.constant 112 : index
        %parallel_loop3A_292 = tpu.vector_load %arg13[%parallel_loop3A_290, %parallel_loop3A_291] {strides = array<i32>} : memref<64x128xf32, #tpu.memory_space<vmem>>, vector<1x16xf32>,
        %parallel_loop3A_293 = vector.shape_cast %parallel_loop3A_292 : vector<1x16xf32> to vector<16xf32>
        %parallel_loop3A_294 = vector.shape_cast %parallel_loop3A_289 : vector<16xf32> to vector<1x16xf32>
        tpu.vector_store %arg13[%parallel_loop3A_290, %parallel_loop3A_291], %parallel_loop3A_294 {strides = array<i32>} : memref<64x128xf32, #tpu.memory_space<vmem>>, vector<1x16xf32>,
      } {sc.loop_unroll_factor = 4 : i64, sc.parallel_access}
      %add3A_98 = arith.constant 4 : i32
      %add3A_99 = arith.addi %add3A_83, %add3A_98 : i32
      %lt3A_100 = arith.constant 400 : i32
      %lt3A_101 = arith.cmpi slt, %add3A_99, %lt3A_100 : i32
      %convert_element_type3A_102 = arith.extui %lt3A_101 : i1 to i32
      %cond3A_103 = arith.constant 0 : i32
      %cond3A_104 = arith.cmpi ne, %convert_element_type3A_102, %cond3A_103 : i32
      scf.if %cond3A_104 {
        %add3A_177 = arith.constant 4 : i32
        %add3A_178 = arith.addi %add3A_83, %add3A_177 : i32
        %mul3A_179 = arith.constant 64 : i32
        %mul3A_180 = arith.muli %add3A_178, %mul3A_179 : i32
        %dma_start3A_181 = tpu.memref_slice %arg6[%mul3A_180] : memref<25600xi32, #tpu.memory_space<vmem>> -> memref<64xi32, #tpu.memory_space<vmem>>
        %dma_start3A_182 = arith.constant 0 : i32
        %dma_start3A_183 = arith.constant 0 : i32
        %dma_start3A_184 = tpu.memref_slice %arg2[%dma_start3A_182, %dma_start3A_183] : memref<100000x128xf32, #tpu.memory_space<hbm>> -> memref<100000x128xf32, #tpu.memory_space<hbm>>
        tpu.enqueue_indirect_dma source(%dma_start3A_184 : memref<100000x128xf32, #tpu.memory_space<hbm>>) target(%arg9 : memref<64x128xf32, #tpu.memory_space<vmem>>) offsets(%dma_start3A_181 : memref<64xi32, #tpu.memory_space<vmem>>) semaphore(%arg17 : memref<!tpu.dma_semaphore, #tpu.memory_space<semaphore_mem>>)
      } else {
      }
      %mul3A_105 = arith.constant 64 : i32
      %mul3A_106 = arith.muli %add3A_83, %mul3A_105 : i32
      %add3A_107 = arith.addi %mul3A_2, %mul3A_106 : i32
      %dma_start3A_108 = arith.constant 0 : i32
      %dma_start3A_109 = tpu.memref_slice %arg5[%add3A_107, %dma_start3A_108] : memref<819200x128xf32, #tpu.memory_space<hbm>> -> memref<64x128xf32, #tpu.memory_space<hbm>>
      %dma_start3A_110 = arith.constant 0 : i32
      %dma_start3A_111 = tpu.memref_slice %arg5[%add3A_107, %dma_start3A_110] : memref<819200x128xf32, #tpu.memory_space<hbm>> -> memref<64x128xf32, #tpu.memory_space<hbm>>
      tpu.enqueue_dma source(%arg13 : memref<64x128xf32, #tpu.memory_space<vmem>>) target(%dma_start3A_111 : memref<64x128xf32, #tpu.memory_space<hbm>>) target_semaphore(%arg21 : memref<!tpu.dma_semaphore, #tpu.memory_space<semaphore_mem>>)
      %mul3A_112 = arith.constant 4 : i32
      %mul3A_113 = arith.muli %scan3A_51, %mul3A_112 : i32
      %add3A_114 = arith.constant 2 : i32
      %add3A_115 = arith.addi %mul3A_113, %add3A_114 : i32
      %dma_wait3A_116 = arith.constant 0 : i32
      %dma_wait3A_117 = arith.constant 0 : i32
      %dma_wait3A_118 = tpu.memref_slice %arg2[%dma_wait3A_116, %dma_wait3A_117] : memref<100000x128xf32, #tpu.memory_space<hbm>> -> memref<64x128xf32, #tpu.memory_space<hbm>>
      %dma_wait3A_119 = arith.constant 0 : i32
      %dma_wait3A_120 = arith.constant 0 : i32
      %dma_wait3A_121 = tpu.memref_slice %arg2[%dma_wait3A_119, %dma_wait3A_120] : memref<100000x128xf32, #tpu.memory_space<hbm>> -> memref<64x128xf32, #tpu.memory_space<hbm>>
      tpu.wait_dma2 semaphore(%arg18 : memref<!tpu.dma_semaphore, #tpu.memory_space<semaphore_mem>>) src(%dma_wait3A_121 : memref<64x128xf32, #tpu.memory_space<hbm>>) dst(%arg10 : memref<64x128xf32, #tpu.memory_space<vmem>>)
      %gt3A_122 = arith.constant 0 : i32
      %gt3A_123 = arith.cmpi sgt, %scan3A_51, %gt3A_122 : i32
      %convert_element_type3A_124 = arith.extui %gt3A_123 : i1 to i32
      %cond3A_125 = arith.constant 0 : i32
      %cond3A_126 = arith.cmpi ne, %convert_element_type3A_124, %cond3A_125 : i32
      scf.if %cond3A_126 {
        %dma_wait3A_177 = arith.constant 0 : i32
        %dma_wait3A_178 = arith.constant 0 : i32
        %dma_wait3A_179 = tpu.memref_slice %arg5[%dma_wait3A_177, %dma_wait3A_178] : memref<819200x128xf32, #tpu.memory_space<hbm>> -> memref<64x128xf32, #tpu.memory_space<hbm>>
        %dma_wait3A_180 = arith.constant 0 : i32
        %dma_wait3A_181 = arith.constant 0 : i32
        %dma_wait3A_182 = tpu.memref_slice %arg5[%dma_wait3A_180, %dma_wait3A_181] : memref<819200x128xf32, #tpu.memory_space<hbm>> -> memref<64x128xf32, #tpu.memory_space<hbm>>
        tpu.wait_dma2 semaphore(%arg22 : memref<!tpu.dma_semaphore, #tpu.memory_space<semaphore_mem>>) src(%arg14 : memref<64x128xf32, #tpu.memory_space<vmem>>) dst(%dma_wait3A_182 : memref<64x128xf32, #tpu.memory_space<hbm>>)
      } else {
      }
      %parallel_loop3A_127 = arith.constant 0 : i32
      %parallel_loop3A_128 = arith.constant 64 : i32
      %parallel_loop3A_129 = arith.constant 1 : i32
      scf.for %parallel_loop3A_177 = %parallel_loop3A_127 to %parallel_loop3A_128 step %parallel_loop3A_129  : i32 {
        %parallel_loop3A_178 = arith.constant 64 : i32
        %parallel_loop3A_179 = arith.muli %add3A_115, %parallel_loop3A_178 : i32
        %parallel_loop3A_180 = arith.addi %parallel_loop3A_179, %parallel_loop3A_177 : i32
        %parallel_loop3A_181 = arith.constant 200 : i32
        %parallel_loop3A_182 = arith.remsi %parallel_loop3A_180, %parallel_loop3A_181 : i32
        %parallel_loop3A_183 = arith.index_cast %parallel_loop3A_177 : i32 to index
        %parallel_loop3A_184 = arith.constant 0 : index
        %parallel_loop3A_185 = tpu.vector_load %arg10[%parallel_loop3A_183, %parallel_loop3A_184] {strides = array<i32>} : memref<64x128xf32, #tpu.memory_space<vmem>>, vector<1x16xf32>,
        %parallel_loop3A_186 = vector.shape_cast %parallel_loop3A_185 : vector<1x16xf32> to vector<16xf32>
        %parallel_loop3A_187 = arith.index_cast %parallel_loop3A_182 : i32 to index
        %parallel_loop3A_188 = arith.constant 0 : index
        %parallel_loop3A_189 = tpu.vector_load %arg7[%parallel_loop3A_187, %parallel_loop3A_188] {strides = array<i32>} : memref<200x128xf32, #tpu.memory_space<vmem>>, vector<1x16xf32>,
        %parallel_loop3A_190 = vector.shape_cast %parallel_loop3A_189 : vector<1x16xf32> to vector<16xf32>
        %parallel_loop3A_191 = arith.addf %parallel_loop3A_186, %parallel_loop3A_190 : vector<16xf32>
        %parallel_loop3A_192 = arith.index_cast %parallel_loop3A_177 : i32 to index
        %parallel_loop3A_193 = arith.constant 0 : index
        %parallel_loop3A_194 = tpu.vector_load %arg14[%parallel_loop3A_192, %parallel_loop3A_193] {strides = array<i32>} : memref<64x128xf32, #tpu.memory_space<vmem>>, vector<1x16xf32>,
        %parallel_loop3A_195 = vector.shape_cast %parallel_loop3A_194 : vector<1x16xf32> to vector<16xf32>
        %parallel_loop3A_196 = vector.shape_cast %parallel_loop3A_191 : vector<16xf32> to vector<1x16xf32>
        tpu.vector_store %arg14[%parallel_loop3A_192, %parallel_loop3A_193], %parallel_loop3A_196 {strides = array<i32>} : memref<64x128xf32, #tpu.memory_space<vmem>>, vector<1x16xf32>,
        %parallel_loop3A_197 = arith.index_cast %parallel_loop3A_177 : i32 to index
        %parallel_loop3A_198 = arith.constant 16 : index
        %parallel_loop3A_199 = tpu.vector_load %arg10[%parallel_loop3A_197, %parallel_loop3A_198] {strides = array<i32>} : memref<64x128xf32, #tpu.memory_space<vmem>>, vector<1x16xf32>,
        %parallel_loop3A_200 = vector.shape_cast %parallel_loop3A_199 : vector<1x16xf32> to vector<16xf32>
        %parallel_loop3A_201 = arith.index_cast %parallel_loop3A_182 : i32 to index
        %parallel_loop3A_202 = arith.constant 16 : index
        %parallel_loop3A_203 = tpu.vector_load %arg7[%parallel_loop3A_201, %parallel_loop3A_202] {strides = array<i32>} : memref<200x128xf32, #tpu.memory_space<vmem>>, vector<1x16xf32>,
        %parallel_loop3A_204 = vector.shape_cast %parallel_loop3A_203 : vector<1x16xf32> to vector<16xf32>
        %parallel_loop3A_205 = arith.addf %parallel_loop3A_200, %parallel_loop3A_204 : vector<16xf32>
        %parallel_loop3A_206 = arith.index_cast %parallel_loop3A_177 : i32 to index
        %parallel_loop3A_207 = arith.constant 16 : index
        %parallel_loop3A_208 = tpu.vector_load %arg14[%parallel_loop3A_206, %parallel_loop3A_207] {strides = array<i32>} : memref<64x128xf32, #tpu.memory_space<vmem>>, vector<1x16xf32>,
        %parallel_loop3A_209 = vector.shape_cast %parallel_loop3A_208 : vector<1x16xf32> to vector<16xf32>
        %parallel_loop3A_210 = vector.shape_cast %parallel_loop3A_205 : vector<16xf32> to vector<1x16xf32>
        tpu.vector_store %arg14[%parallel_loop3A_206, %parallel_loop3A_207], %parallel_loop3A_210 {strides = array<i32>} : memref<64x128xf32, #tpu.memory_space<vmem>>, vector<1x16xf32>,
        %parallel_loop3A_211 = arith.index_cast %parallel_loop3A_177 : i32 to index
        %parallel_loop3A_212 = arith.constant 32 : index
        %parallel_loop3A_213 = tpu.vector_load %arg10[%parallel_loop3A_211, %parallel_loop3A_212] {strides = array<i32>} : memref<64x128xf32, #tpu.memory_space<vmem>>, vector<1x16xf32>,
        %parallel_loop3A_214 = vector.shape_cast %parallel_loop3A_213 : vector<1x16xf32> to vector<16xf32>
        %parallel_loop3A_215 = arith.index_cast %parallel_loop3A_182 : i32 to index
        %parallel_loop3A_216 = arith.constant 32 : index
        %parallel_loop3A_217 = tpu.vector_load %arg7[%parallel_loop3A_215, %parallel_loop3A_216] {strides = array<i32>} : memref<200x128xf32, #tpu.memory_space<vmem>>, vector<1x16xf32>,
        %parallel_loop3A_218 = vector.shape_cast %parallel_loop3A_217 : vector<1x16xf32> to vector<16xf32>
        %parallel_loop3A_219 = arith.addf %parallel_loop3A_214, %parallel_loop3A_218 : vector<16xf32>
        %parallel_loop3A_220 = arith.index_cast %parallel_loop3A_177 : i32 to index
        %parallel_loop3A_221 = arith.constant 32 : index
        %parallel_loop3A_222 = tpu.vector_load %arg14[%parallel_loop3A_220, %parallel_loop3A_221] {strides = array<i32>} : memref<64x128xf32, #tpu.memory_space<vmem>>, vector<1x16xf32>,
        %parallel_loop3A_223 = vector.shape_cast %parallel_loop3A_222 : vector<1x16xf32> to vector<16xf32>
        %parallel_loop3A_224 = vector.shape_cast %parallel_loop3A_219 : vector<16xf32> to vector<1x16xf32>
        tpu.vector_store %arg14[%parallel_loop3A_220, %parallel_loop3A_221], %parallel_loop3A_224 {strides = array<i32>} : memref<64x128xf32, #tpu.memory_space<vmem>>, vector<1x16xf32>,
        %parallel_loop3A_225 = arith.index_cast %parallel_loop3A_177 : i32 to index
        %parallel_loop3A_226 = arith.constant 48 : index
        %parallel_loop3A_227 = tpu.vector_load %arg10[%parallel_loop3A_225, %parallel_loop3A_226] {strides = array<i32>} : memref<64x128xf32, #tpu.memory_space<vmem>>, vector<1x16xf32>,
        %parallel_loop3A_228 = vector.shape_cast %parallel_loop3A_227 : vector<1x16xf32> to vector<16xf32>
        %parallel_loop3A_229 = arith.index_cast %parallel_loop3A_182 : i32 to index
        %parallel_loop3A_230 = arith.constant 48 : index
        %parallel_loop3A_231 = tpu.vector_load %arg7[%parallel_loop3A_229, %parallel_loop3A_230] {strides = array<i32>} : memref<200x128xf32, #tpu.memory_space<vmem>>, vector<1x16xf32>,
        %parallel_loop3A_232 = vector.shape_cast %parallel_loop3A_231 : vector<1x16xf32> to vector<16xf32>
        %parallel_loop3A_233 = arith.addf %parallel_loop3A_228, %parallel_loop3A_232 : vector<16xf32>
        %parallel_loop3A_234 = arith.index_cast %parallel_loop3A_177 : i32 to index
        %parallel_loop3A_235 = arith.constant 48 : index
        %parallel_loop3A_236 = tpu.vector_load %arg14[%parallel_loop3A_234, %parallel_loop3A_235] {strides = array<i32>} : memref<64x128xf32, #tpu.memory_space<vmem>>, vector<1x16xf32>,
        %parallel_loop3A_237 = vector.shape_cast %parallel_loop3A_236 : vector<1x16xf32> to vector<16xf32>
        %parallel_loop3A_238 = vector.shape_cast %parallel_loop3A_233 : vector<16xf32> to vector<1x16xf32>
        tpu.vector_store %arg14[%parallel_loop3A_234, %parallel_loop3A_235], %parallel_loop3A_238 {strides = array<i32>} : memref<64x128xf32, #tpu.memory_space<vmem>>, vector<1x16xf32>,
        %parallel_loop3A_239 = arith.index_cast %parallel_loop3A_177 : i32 to index
        %parallel_loop3A_240 = arith.constant 64 : index
        %parallel_loop3A_241 = tpu.vector_load %arg10[%parallel_loop3A_239, %parallel_loop3A_240] {strides = array<i32>} : memref<64x128xf32, #tpu.memory_space<vmem>>, vector<1x16xf32>,
        %parallel_loop3A_242 = vector.shape_cast %parallel_loop3A_241 : vector<1x16xf32> to vector<16xf32>
        %parallel_loop3A_243 = arith.index_cast %parallel_loop3A_182 : i32 to index
        %parallel_loop3A_244 = arith.constant 64 : index
        %parallel_loop3A_245 = tpu.vector_load %arg7[%parallel_loop3A_243, %parallel_loop3A_244] {strides = array<i32>} : memref<200x128xf32, #tpu.memory_space<vmem>>, vector<1x16xf32>,
        %parallel_loop3A_246 = vector.shape_cast %parallel_loop3A_245 : vector<1x16xf32> to vector<16xf32>
        %parallel_loop3A_247 = arith.addf %parallel_loop3A_242, %parallel_loop3A_246 : vector<16xf32>
        %parallel_loop3A_248 = arith.index_cast %parallel_loop3A_177 : i32 to index
        %parallel_loop3A_249 = arith.constant 64 : index
        %parallel_loop3A_250 = tpu.vector_load %arg14[%parallel_loop3A_248, %parallel_loop3A_249] {strides = array<i32>} : memref<64x128xf32, #tpu.memory_space<vmem>>, vector<1x16xf32>,
        %parallel_loop3A_251 = vector.shape_cast %parallel_loop3A_250 : vector<1x16xf32> to vector<16xf32>
        %parallel_loop3A_252 = vector.shape_cast %parallel_loop3A_247 : vector<16xf32> to vector<1x16xf32>
        tpu.vector_store %arg14[%parallel_loop3A_248, %parallel_loop3A_249], %parallel_loop3A_252 {strides = array<i32>} : memref<64x128xf32, #tpu.memory_space<vmem>>, vector<1x16xf32>,
        %parallel_loop3A_253 = arith.index_cast %parallel_loop3A_177 : i32 to index
        %parallel_loop3A_254 = arith.constant 80 : index
        %parallel_loop3A_255 = tpu.vector_load %arg10[%parallel_loop3A_253, %parallel_loop3A_254] {strides = array<i32>} : memref<64x128xf32, #tpu.memory_space<vmem>>, vector<1x16xf32>,
        %parallel_loop3A_256 = vector.shape_cast %parallel_loop3A_255 : vector<1x16xf32> to vector<16xf32>
        %parallel_loop3A_257 = arith.index_cast %parallel_loop3A_182 : i32 to index
        %parallel_loop3A_258 = arith.constant 80 : index
        %parallel_loop3A_259 = tpu.vector_load %arg7[%parallel_loop3A_257, %parallel_loop3A_258] {strides = array<i32>} : memref<200x128xf32, #tpu.memory_space<vmem>>, vector<1x16xf32>,
        %parallel_loop3A_260 = vector.shape_cast %parallel_loop3A_259 : vector<1x16xf32> to vector<16xf32>
        %parallel_loop3A_261 = arith.addf %parallel_loop3A_256, %parallel_loop3A_260 : vector<16xf32>
        %parallel_loop3A_262 = arith.index_cast %parallel_loop3A_177 : i32 to index
        %parallel_loop3A_263 = arith.constant 80 : index
        %parallel_loop3A_264 = tpu.vector_load %arg14[%parallel_loop3A_262, %parallel_loop3A_263] {strides = array<i32>} : memref<64x128xf32, #tpu.memory_space<vmem>>, vector<1x16xf32>,
        %parallel_loop3A_265 = vector.shape_cast %parallel_loop3A_264 : vector<1x16xf32> to vector<16xf32>
        %parallel_loop3A_266 = vector.shape_cast %parallel_loop3A_261 : vector<16xf32> to vector<1x16xf32>
        tpu.vector_store %arg14[%parallel_loop3A_262, %parallel_loop3A_263], %parallel_loop3A_266 {strides = array<i32>} : memref<64x128xf32, #tpu.memory_space<vmem>>, vector<1x16xf32>,
        %parallel_loop3A_267 = arith.index_cast %parallel_loop3A_177 : i32 to index
        %parallel_loop3A_268 = arith.constant 96 : index
        %parallel_loop3A_269 = tpu.vector_load %arg10[%parallel_loop3A_267, %parallel_loop3A_268] {strides = array<i32>} : memref<64x128xf32, #tpu.memory_space<vmem>>, vector<1x16xf32>,
        %parallel_loop3A_270 = vector.shape_cast %parallel_loop3A_269 : vector<1x16xf32> to vector<16xf32>
        %parallel_loop3A_271 = arith.index_cast %parallel_loop3A_182 : i32 to index
        %parallel_loop3A_272 = arith.constant 96 : index
        %parallel_loop3A_273 = tpu.vector_load %arg7[%parallel_loop3A_271, %parallel_loop3A_272] {strides = array<i32>} : memref<200x128xf32, #tpu.memory_space<vmem>>, vector<1x16xf32>,
        %parallel_loop3A_274 = vector.shape_cast %parallel_loop3A_273 : vector<1x16xf32> to vector<16xf32>
        %parallel_loop3A_275 = arith.addf %parallel_loop3A_270, %parallel_loop3A_274 : vector<16xf32>
        %parallel_loop3A_276 = arith.index_cast %parallel_loop3A_177 : i32 to index
        %parallel_loop3A_277 = arith.constant 96 : index
        %parallel_loop3A_278 = tpu.vector_load %arg14[%parallel_loop3A_276, %parallel_loop3A_277] {strides = array<i32>} : memref<64x128xf32, #tpu.memory_space<vmem>>, vector<1x16xf32>,
        %parallel_loop3A_279 = vector.shape_cast %parallel_loop3A_278 : vector<1x16xf32> to vector<16xf32>
        %parallel_loop3A_280 = vector.shape_cast %parallel_loop3A_275 : vector<16xf32> to vector<1x16xf32>
        tpu.vector_store %arg14[%parallel_loop3A_276, %parallel_loop3A_277], %parallel_loop3A_280 {strides = array<i32>} : memref<64x128xf32, #tpu.memory_space<vmem>>, vector<1x16xf32>,
        %parallel_loop3A_281 = arith.index_cast %parallel_loop3A_177 : i32 to index
        %parallel_loop3A_282 = arith.constant 112 : index
        %parallel_loop3A_283 = tpu.vector_load %arg10[%parallel_loop3A_281, %parallel_loop3A_282] {strides = array<i32>} : memref<64x128xf32, #tpu.memory_space<vmem>>, vector<1x16xf32>,
        %parallel_loop3A_284 = vector.shape_cast %parallel_loop3A_283 : vector<1x16xf32> to vector<16xf32>
        %parallel_loop3A_285 = arith.index_cast %parallel_loop3A_182 : i32 to index
        %parallel_loop3A_286 = arith.constant 112 : index
        %parallel_loop3A_287 = tpu.vector_load %arg7[%parallel_loop3A_285, %parallel_loop3A_286] {strides = array<i32>} : memref<200x128xf32, #tpu.memory_space<vmem>>, vector<1x16xf32>,
        %parallel_loop3A_288 = vector.shape_cast %parallel_loop3A_287 : vector<1x16xf32> to vector<16xf32>
        %parallel_loop3A_289 = arith.addf %parallel_loop3A_284, %parallel_loop3A_288 : vector<16xf32>
        %parallel_loop3A_290 = arith.index_cast %parallel_loop3A_177 : i32 to index
        %parallel_loop3A_291 = arith.constant 112 : index
        %parallel_loop3A_292 = tpu.vector_load %arg14[%parallel_loop3A_290, %parallel_loop3A_291] {strides = array<i32>} : memref<64x128xf32, #tpu.memory_space<vmem>>, vector<1x16xf32>,
        %parallel_loop3A_293 = vector.shape_cast %parallel_loop3A_292 : vector<1x16xf32> to vector<16xf32>
        %parallel_loop3A_294 = vector.shape_cast %parallel_loop3A_289 : vector<16xf32> to vector<1x16xf32>
        tpu.vector_store %arg14[%parallel_loop3A_290, %parallel_loop3A_291], %parallel_loop3A_294 {strides = array<i32>} : memref<64x128xf32, #tpu.memory_space<vmem>>, vector<1x16xf32>,
      } {sc.loop_unroll_factor = 4 : i64, sc.parallel_access}
      %add3A_130 = arith.constant 4 : i32
      %add3A_131 = arith.addi %add3A_115, %add3A_130 : i32
      %lt3A_132 = arith.constant 400 : i32
      %lt3A_133 = arith.cmpi slt, %add3A_131, %lt3A_132 : i32
      %convert_element_type3A_134 = arith.extui %lt3A_133 : i1 to i32
      %cond3A_135 = arith.constant 0 : i32
      %cond3A_136 = arith.cmpi ne, %convert_element_type3A_134, %cond3A_135 : i32
      scf.if %cond3A_136 {
        %add3A_177 = arith.constant 4 : i32
        %add3A_178 = arith.addi %add3A_115, %add3A_177 : i32
        %mul3A_179 = arith.constant 64 : i32
        %mul3A_180 = arith.muli %add3A_178, %mul3A_179 : i32
        %dma_start3A_181 = tpu.memref_slice %arg6[%mul3A_180] : memref<25600xi32, #tpu.memory_space<vmem>> -> memref<64xi32, #tpu.memory_space<vmem>>
        %dma_start3A_182 = arith.constant 0 : i32
        %dma_start3A_183 = arith.constant 0 : i32
        %dma_start3A_184 = tpu.memref_slice %arg2[%dma_start3A_182, %dma_start3A_183] : memref<100000x128xf32, #tpu.memory_space<hbm>> -> memref<100000x128xf32, #tpu.memory_space<hbm>>
        tpu.enqueue_indirect_dma source(%dma_start3A_184 : memref<100000x128xf32, #tpu.memory_space<hbm>>) target(%arg10 : memref<64x128xf32, #tpu.memory_space<vmem>>) offsets(%dma_start3A_181 : memref<64xi32, #tpu.memory_space<vmem>>) semaphore(%arg18 : memref<!tpu.dma_semaphore, #tpu.memory_space<semaphore_mem>>)
      } else {
      }
      %mul3A_137 = arith.constant 64 : i32
      %mul3A_138 = arith.muli %add3A_115, %mul3A_137 : i32
      %add3A_139 = arith.addi %mul3A_2, %mul3A_138 : i32
      %dma_start3A_140 = arith.constant 0 : i32
      %dma_start3A_141 = tpu.memref_slice %arg5[%add3A_139, %dma_start3A_140] : memref<819200x128xf32, #tpu.memory_space<hbm>> -> memref<64x128xf32, #tpu.memory_space<hbm>>
      %dma_start3A_142 = arith.constant 0 : i32
      %dma_start3A_143 = tpu.memref_slice %arg5[%add3A_139, %dma_start3A_142] : memref<819200x128xf32, #tpu.memory_space<hbm>> -> memref<64x128xf32, #tpu.memory_space<hbm>>
      tpu.enqueue_dma source(%arg14 : memref<64x128xf32, #tpu.memory_space<vmem>>) target(%dma_start3A_143 : memref<64x128xf32, #tpu.memory_space<hbm>>) target_semaphore(%arg22 : memref<!tpu.dma_semaphore, #tpu.memory_space<semaphore_mem>>)
      %mul3A_144 = arith.constant 4 : i32
      %mul3A_145 = arith.muli %scan3A_51, %mul3A_144 : i32
      %add3A_146 = arith.constant 3 : i32
      %add3A_147 = arith.addi %mul3A_145, %add3A_146 : i32
      %dma_wait3A_148 = arith.constant 0 : i32
      %dma_wait3A_149 = arith.constant 0 : i32
      %dma_wait3A_150 = tpu.memref_slice %arg2[%dma_wait3A_148, %dma_wait3A_149] : memref<100000x128xf32, #tpu.memory_space<hbm>> -> memref<64x128xf32, #tpu.memory_space<hbm>>
      %dma_wait3A_151 = arith.constant 0 : i32
      %dma_wait3A_152 = arith.constant 0 : i32
      %dma_wait3A_153 = tpu.memref_slice %arg2[%dma_wait3A_151, %dma_wait3A_152] : memref<100000x128xf32, #tpu.memory_space<hbm>> -> memref<64x128xf32, #tpu.memory_space<hbm>>
      tpu.wait_dma2 semaphore(%arg19 : memref<!tpu.dma_semaphore, #tpu.memory_space<semaphore_mem>>) src(%dma_wait3A_153 : memref<64x128xf32, #tpu.memory_space<hbm>>) dst(%arg11 : memref<64x128xf32, #tpu.memory_space<vmem>>)
      %gt3A_154 = arith.constant 0 : i32
      %gt3A_155 = arith.cmpi sgt, %scan3A_51, %gt3A_154 : i32
      %convert_element_type3A_156 = arith.extui %gt3A_155 : i1 to i32
      %cond3A_157 = arith.constant 0 : i32
      %cond3A_158 = arith.cmpi ne, %convert_element_type3A_156, %cond3A_157 : i32
      scf.if %cond3A_158 {
        %dma_wait3A_177 = arith.constant 0 : i32
        %dma_wait3A_178 = arith.constant 0 : i32
        %dma_wait3A_179 = tpu.memref_slice %arg5[%dma_wait3A_177, %dma_wait3A_178] : memref<819200x128xf32, #tpu.memory_space<hbm>> -> memref<64x128xf32, #tpu.memory_space<hbm>>
        %dma_wait3A_180 = arith.constant 0 : i32
        %dma_wait3A_181 = arith.constant 0 : i32
        %dma_wait3A_182 = tpu.memref_slice %arg5[%dma_wait3A_180, %dma_wait3A_181] : memref<819200x128xf32, #tpu.memory_space<hbm>> -> memref<64x128xf32, #tpu.memory_space<hbm>>
        tpu.wait_dma2 semaphore(%arg23 : memref<!tpu.dma_semaphore, #tpu.memory_space<semaphore_mem>>) src(%arg15 : memref<64x128xf32, #tpu.memory_space<vmem>>) dst(%dma_wait3A_182 : memref<64x128xf32, #tpu.memory_space<hbm>>)
      } else {
      }
      %parallel_loop3A_159 = arith.constant 0 : i32
      %parallel_loop3A_160 = arith.constant 64 : i32
      %parallel_loop3A_161 = arith.constant 1 : i32
      scf.for %parallel_loop3A_177 = %parallel_loop3A_159 to %parallel_loop3A_160 step %parallel_loop3A_161  : i32 {
        %parallel_loop3A_178 = arith.constant 64 : i32
        %parallel_loop3A_179 = arith.muli %add3A_147, %parallel_loop3A_178 : i32
        %parallel_loop3A_180 = arith.addi %parallel_loop3A_179, %parallel_loop3A_177 : i32
        %parallel_loop3A_181 = arith.constant 200 : i32
        %parallel_loop3A_182 = arith.remsi %parallel_loop3A_180, %parallel_loop3A_181 : i32
        %parallel_loop3A_183 = arith.index_cast %parallel_loop3A_177 : i32 to index
        %parallel_loop3A_184 = arith.constant 0 : index
        %parallel_loop3A_185 = tpu.vector_load %arg11[%parallel_loop3A_183, %parallel_loop3A_184] {strides = array<i32>} : memref<64x128xf32, #tpu.memory_space<vmem>>, vector<1x16xf32>,
        %parallel_loop3A_186 = vector.shape_cast %parallel_loop3A_185 : vector<1x16xf32> to vector<16xf32>
        %parallel_loop3A_187 = arith.index_cast %parallel_loop3A_182 : i32 to index
        %parallel_loop3A_188 = arith.constant 0 : index
        %parallel_loop3A_189 = tpu.vector_load %arg7[%parallel_loop3A_187, %parallel_loop3A_188] {strides = array<i32>} : memref<200x128xf32, #tpu.memory_space<vmem>>, vector<1x16xf32>,
        %parallel_loop3A_190 = vector.shape_cast %parallel_loop3A_189 : vector<1x16xf32> to vector<16xf32>
        %parallel_loop3A_191 = arith.addf %parallel_loop3A_186, %parallel_loop3A_190 : vector<16xf32>
        %parallel_loop3A_192 = arith.index_cast %parallel_loop3A_177 : i32 to index
        %parallel_loop3A_193 = arith.constant 0 : index
        %parallel_loop3A_194 = tpu.vector_load %arg15[%parallel_loop3A_192, %parallel_loop3A_193] {strides = array<i32>} : memref<64x128xf32, #tpu.memory_space<vmem>>, vector<1x16xf32>,
        %parallel_loop3A_195 = vector.shape_cast %parallel_loop3A_194 : vector<1x16xf32> to vector<16xf32>
        %parallel_loop3A_196 = vector.shape_cast %parallel_loop3A_191 : vector<16xf32> to vector<1x16xf32>
        tpu.vector_store %arg15[%parallel_loop3A_192, %parallel_loop3A_193], %parallel_loop3A_196 {strides = array<i32>} : memref<64x128xf32, #tpu.memory_space<vmem>>, vector<1x16xf32>,
        %parallel_loop3A_197 = arith.index_cast %parallel_loop3A_177 : i32 to index
        %parallel_loop3A_198 = arith.constant 16 : index
        %parallel_loop3A_199 = tpu.vector_load %arg11[%parallel_loop3A_197, %parallel_loop3A_198] {strides = array<i32>} : memref<64x128xf32, #tpu.memory_space<vmem>>, vector<1x16xf32>,
        %parallel_loop3A_200 = vector.shape_cast %parallel_loop3A_199 : vector<1x16xf32> to vector<16xf32>
        %parallel_loop3A_201 = arith.index_cast %parallel_loop3A_182 : i32 to index
        %parallel_loop3A_202 = arith.constant 16 : index
        %parallel_loop3A_203 = tpu.vector_load %arg7[%parallel_loop3A_201, %parallel_loop3A_202] {strides = array<i32>} : memref<200x128xf32, #tpu.memory_space<vmem>>, vector<1x16xf32>,
        %parallel_loop3A_204 = vector.shape_cast %parallel_loop3A_203 : vector<1x16xf32> to vector<16xf32>
        %parallel_loop3A_205 = arith.addf %parallel_loop3A_200, %parallel_loop3A_204 : vector<16xf32>
        %parallel_loop3A_206 = arith.index_cast %parallel_loop3A_177 : i32 to index
        %parallel_loop3A_207 = arith.constant 16 : index
        %parallel_loop3A_208 = tpu.vector_load %arg15[%parallel_loop3A_206, %parallel_loop3A_207] {strides = array<i32>} : memref<64x128xf32, #tpu.memory_space<vmem>>, vector<1x16xf32>,
        %parallel_loop3A_209 = vector.shape_cast %parallel_loop3A_208 : vector<1x16xf32> to vector<16xf32>
        %parallel_loop3A_210 = vector.shape_cast %parallel_loop3A_205 : vector<16xf32> to vector<1x16xf32>
        tpu.vector_store %arg15[%parallel_loop3A_206, %parallel_loop3A_207], %parallel_loop3A_210 {strides = array<i32>} : memref<64x128xf32, #tpu.memory_space<vmem>>, vector<1x16xf32>,
        %parallel_loop3A_211 = arith.index_cast %parallel_loop3A_177 : i32 to index
        %parallel_loop3A_212 = arith.constant 32 : index
        %parallel_loop3A_213 = tpu.vector_load %arg11[%parallel_loop3A_211, %parallel_loop3A_212] {strides = array<i32>} : memref<64x128xf32, #tpu.memory_space<vmem>>, vector<1x16xf32>,
        %parallel_loop3A_214 = vector.shape_cast %parallel_loop3A_213 : vector<1x16xf32> to vector<16xf32>
        %parallel_loop3A_215 = arith.index_cast %parallel_loop3A_182 : i32 to index
        %parallel_loop3A_216 = arith.constant 32 : index
        %parallel_loop3A_217 = tpu.vector_load %arg7[%parallel_loop3A_215, %parallel_loop3A_216] {strides = array<i32>} : memref<200x128xf32, #tpu.memory_space<vmem>>, vector<1x16xf32>,
        %parallel_loop3A_218 = vector.shape_cast %parallel_loop3A_217 : vector<1x16xf32> to vector<16xf32>
        %parallel_loop3A_219 = arith.addf %parallel_loop3A_214, %parallel_loop3A_218 : vector<16xf32>
        %parallel_loop3A_220 = arith.index_cast %parallel_loop3A_177 : i32 to index
        %parallel_loop3A_221 = arith.constant 32 : index
        %parallel_loop3A_222 = tpu.vector_load %arg15[%parallel_loop3A_220, %parallel_loop3A_221] {strides = array<i32>} : memref<64x128xf32, #tpu.memory_space<vmem>>, vector<1x16xf32>,
        %parallel_loop3A_223 = vector.shape_cast %parallel_loop3A_222 : vector<1x16xf32> to vector<16xf32>
        %parallel_loop3A_224 = vector.shape_cast %parallel_loop3A_219 : vector<16xf32> to vector<1x16xf32>
        tpu.vector_store %arg15[%parallel_loop3A_220, %parallel_loop3A_221], %parallel_loop3A_224 {strides = array<i32>} : memref<64x128xf32, #tpu.memory_space<vmem>>, vector<1x16xf32>,
        %parallel_loop3A_225 = arith.index_cast %parallel_loop3A_177 : i32 to index
        %parallel_loop3A_226 = arith.constant 48 : index
        %parallel_loop3A_227 = tpu.vector_load %arg11[%parallel_loop3A_225, %parallel_loop3A_226] {strides = array<i32>} : memref<64x128xf32, #tpu.memory_space<vmem>>, vector<1x16xf32>,
        %parallel_loop3A_228 = vector.shape_cast %parallel_loop3A_227 : vector<1x16xf32> to vector<16xf32>
        %parallel_loop3A_229 = arith.index_cast %parallel_loop3A_182 : i32 to index
        %parallel_loop3A_230 = arith.constant 48 : index
        %parallel_loop3A_231 = tpu.vector_load %arg7[%parallel_loop3A_229, %parallel_loop3A_230] {strides = array<i32>} : memref<200x128xf32, #tpu.memory_space<vmem>>, vector<1x16xf32>,
        %parallel_loop3A_232 = vector.shape_cast %parallel_loop3A_231 : vector<1x16xf32> to vector<16xf32>
        %parallel_loop3A_233 = arith.addf %parallel_loop3A_228, %parallel_loop3A_232 : vector<16xf32>
        %parallel_loop3A_234 = arith.index_cast %parallel_loop3A_177 : i32 to index
        %parallel_loop3A_235 = arith.constant 48 : index
        %parallel_loop3A_236 = tpu.vector_load %arg15[%parallel_loop3A_234, %parallel_loop3A_235] {strides = array<i32>} : memref<64x128xf32, #tpu.memory_space<vmem>>, vector<1x16xf32>,
        %parallel_loop3A_237 = vector.shape_cast %parallel_loop3A_236 : vector<1x16xf32> to vector<16xf32>
        %parallel_loop3A_238 = vector.shape_cast %parallel_loop3A_233 : vector<16xf32> to vector<1x16xf32>
        tpu.vector_store %arg15[%parallel_loop3A_234, %parallel_loop3A_235], %parallel_loop3A_238 {strides = array<i32>} : memref<64x128xf32, #tpu.memory_space<vmem>>, vector<1x16xf32>,
        %parallel_loop3A_239 = arith.index_cast %parallel_loop3A_177 : i32 to index
        %parallel_loop3A_240 = arith.constant 64 : index
        %parallel_loop3A_241 = tpu.vector_load %arg11[%parallel_loop3A_239, %parallel_loop3A_240] {strides = array<i32>} : memref<64x128xf32, #tpu.memory_space<vmem>>, vector<1x16xf32>,
        %parallel_loop3A_242 = vector.shape_cast %parallel_loop3A_241 : vector<1x16xf32> to vector<16xf32>
        %parallel_loop3A_243 = arith.index_cast %parallel_loop3A_182 : i32 to index
        %parallel_loop3A_244 = arith.constant 64 : index
        %parallel_loop3A_245 = tpu.vector_load %arg7[%parallel_loop3A_243, %parallel_loop3A_244] {strides = array<i32>} : memref<200x128xf32, #tpu.memory_space<vmem>>, vector<1x16xf32>,
        %parallel_loop3A_246 = vector.shape_cast %parallel_loop3A_245 : vector<1x16xf32> to vector<16xf32>
        %parallel_loop3A_247 = arith.addf %parallel_loop3A_242, %parallel_loop3A_246 : vector<16xf32>
        %parallel_loop3A_248 = arith.index_cast %parallel_loop3A_177 : i32 to index
        %parallel_loop3A_249 = arith.constant 64 : index
        %parallel_loop3A_250 = tpu.vector_load %arg15[%parallel_loop3A_248, %parallel_loop3A_249] {strides = array<i32>} : memref<64x128xf32, #tpu.memory_space<vmem>>, vector<1x16xf32>,
        %parallel_loop3A_251 = vector.shape_cast %parallel_loop3A_250 : vector<1x16xf32> to vector<16xf32>
        %parallel_loop3A_252 = vector.shape_cast %parallel_loop3A_247 : vector<16xf32> to vector<1x16xf32>
        tpu.vector_store %arg15[%parallel_loop3A_248, %parallel_loop3A_249], %parallel_loop3A_252 {strides = array<i32>} : memref<64x128xf32, #tpu.memory_space<vmem>>, vector<1x16xf32>,
        %parallel_loop3A_253 = arith.index_cast %parallel_loop3A_177 : i32 to index
        %parallel_loop3A_254 = arith.constant 80 : index
        %parallel_loop3A_255 = tpu.vector_load %arg11[%parallel_loop3A_253, %parallel_loop3A_254] {strides = array<i32>} : memref<64x128xf32, #tpu.memory_space<vmem>>, vector<1x16xf32>,
        %parallel_loop3A_256 = vector.shape_cast %parallel_loop3A_255 : vector<1x16xf32> to vector<16xf32>
        %parallel_loop3A_257 = arith.index_cast %parallel_loop3A_182 : i32 to index
        %parallel_loop3A_258 = arith.constant 80 : index
        %parallel_loop3A_259 = tpu.vector_load %arg7[%parallel_loop3A_257, %parallel_loop3A_258] {strides = array<i32>} : memref<200x128xf32, #tpu.memory_space<vmem>>, vector<1x16xf32>,
        %parallel_loop3A_260 = vector.shape_cast %parallel_loop3A_259 : vector<1x16xf32> to vector<16xf32>
        %parallel_loop3A_261 = arith.addf %parallel_loop3A_256, %parallel_loop3A_260 : vector<16xf32>
        %parallel_loop3A_262 = arith.index_cast %parallel_loop3A_177 : i32 to index
        %parallel_loop3A_263 = arith.constant 80 : index
        %parallel_loop3A_264 = tpu.vector_load %arg15[%parallel_loop3A_262, %parallel_loop3A_263] {strides = array<i32>} : memref<64x128xf32, #tpu.memory_space<vmem>>, vector<1x16xf32>,
        %parallel_loop3A_265 = vector.shape_cast %parallel_loop3A_264 : vector<1x16xf32> to vector<16xf32>
        %parallel_loop3A_266 = vector.shape_cast %parallel_loop3A_261 : vector<16xf32> to vector<1x16xf32>
        tpu.vector_store %arg15[%parallel_loop3A_262, %parallel_loop3A_263], %parallel_loop3A_266 {strides = array<i32>} : memref<64x128xf32, #tpu.memory_space<vmem>>, vector<1x16xf32>,
        %parallel_loop3A_267 = arith.index_cast %parallel_loop3A_177 : i32 to index
        %parallel_loop3A_268 = arith.constant 96 : index
        %parallel_loop3A_269 = tpu.vector_load %arg11[%parallel_loop3A_267, %parallel_loop3A_268] {strides = array<i32>} : memref<64x128xf32, #tpu.memory_space<vmem>>, vector<1x16xf32>,
        %parallel_loop3A_270 = vector.shape_cast %parallel_loop3A_269 : vector<1x16xf32> to vector<16xf32>
        %parallel_loop3A_271 = arith.index_cast %parallel_loop3A_182 : i32 to index
        %parallel_loop3A_272 = arith.constant 96 : index
        %parallel_loop3A_273 = tpu.vector_load %arg7[%parallel_loop3A_271, %parallel_loop3A_272] {strides = array<i32>} : memref<200x128xf32, #tpu.memory_space<vmem>>, vector<1x16xf32>,
        %parallel_loop3A_274 = vector.shape_cast %parallel_loop3A_273 : vector<1x16xf32> to vector<16xf32>
        %parallel_loop3A_275 = arith.addf %parallel_loop3A_270, %parallel_loop3A_274 : vector<16xf32>
        %parallel_loop3A_276 = arith.index_cast %parallel_loop3A_177 : i32 to index
        %parallel_loop3A_277 = arith.constant 96 : index
        %parallel_loop3A_278 = tpu.vector_load %arg15[%parallel_loop3A_276, %parallel_loop3A_277] {strides = array<i32>} : memref<64x128xf32, #tpu.memory_space<vmem>>, vector<1x16xf32>,
        %parallel_loop3A_279 = vector.shape_cast %parallel_loop3A_278 : vector<1x16xf32> to vector<16xf32>
        %parallel_loop3A_280 = vector.shape_cast %parallel_loop3A_275 : vector<16xf32> to vector<1x16xf32>
        tpu.vector_store %arg15[%parallel_loop3A_276, %parallel_loop3A_277], %parallel_loop3A_280 {strides = array<i32>} : memref<64x128xf32, #tpu.memory_space<vmem>>, vector<1x16xf32>,
        %parallel_loop3A_281 = arith.index_cast %parallel_loop3A_177 : i32 to index
        %parallel_loop3A_282 = arith.constant 112 : index
        %parallel_loop3A_283 = tpu.vector_load %arg11[%parallel_loop3A_281, %parallel_loop3A_282] {strides = array<i32>} : memref<64x128xf32, #tpu.memory_space<vmem>>, vector<1x16xf32>,
        %parallel_loop3A_284 = vector.shape_cast %parallel_loop3A_283 : vector<1x16xf32> to vector<16xf32>
        %parallel_loop3A_285 = arith.index_cast %parallel_loop3A_182 : i32 to index
        %parallel_loop3A_286 = arith.constant 112 : index
        %parallel_loop3A_287 = tpu.vector_load %arg7[%parallel_loop3A_285, %parallel_loop3A_286] {strides = array<i32>} : memref<200x128xf32, #tpu.memory_space<vmem>>, vector<1x16xf32>,
        %parallel_loop3A_288 = vector.shape_cast %parallel_loop3A_287 : vector<1x16xf32> to vector<16xf32>
        %parallel_loop3A_289 = arith.addf %parallel_loop3A_284, %parallel_loop3A_288 : vector<16xf32>
        %parallel_loop3A_290 = arith.index_cast %parallel_loop3A_177 : i32 to index
        %parallel_loop3A_291 = arith.constant 112 : index
        %parallel_loop3A_292 = tpu.vector_load %arg15[%parallel_loop3A_290, %parallel_loop3A_291] {strides = array<i32>} : memref<64x128xf32, #tpu.memory_space<vmem>>, vector<1x16xf32>,
        %parallel_loop3A_293 = vector.shape_cast %parallel_loop3A_292 : vector<1x16xf32> to vector<16xf32>
        %parallel_loop3A_294 = vector.shape_cast %parallel_loop3A_289 : vector<16xf32> to vector<1x16xf32>
        tpu.vector_store %arg15[%parallel_loop3A_290, %parallel_loop3A_291], %parallel_loop3A_294 {strides = array<i32>} : memref<64x128xf32, #tpu.memory_space<vmem>>, vector<1x16xf32>,
      } {sc.loop_unroll_factor = 4 : i64, sc.parallel_access}
      %add3A_162 = arith.constant 4 : i32
      %add3A_163 = arith.addi %add3A_147, %add3A_162 : i32
      %lt3A_164 = arith.constant 400 : i32
      %lt3A_165 = arith.cmpi slt, %add3A_163, %lt3A_164 : i32
      %convert_element_type3A_166 = arith.extui %lt3A_165 : i1 to i32
      %cond3A_167 = arith.constant 0 : i32
      %cond3A_168 = arith.cmpi ne, %convert_element_type3A_166, %cond3A_167 : i32
      scf.if %cond3A_168 {
        %add3A_177 = arith.constant 4 : i32
        %add3A_178 = arith.addi %add3A_147, %add3A_177 : i32
        %mul3A_179 = arith.constant 64 : i32
        %mul3A_180 = arith.muli %add3A_178, %mul3A_179 : i32
        %dma_start3A_181 = tpu.memref_slice %arg6[%mul3A_180] : memref<25600xi32, #tpu.memory_space<vmem>> -> memref<64xi32, #tpu.memory_space<vmem>>
        %dma_start3A_182 = arith.constant 0 : i32
        %dma_start3A_183 = arith.constant 0 : i32
        %dma_start3A_184 = tpu.memref_slice %arg2[%dma_start3A_182, %dma_start3A_183] : memref<100000x128xf32, #tpu.memory_space<hbm>> -> memref<100000x128xf32, #tpu.memory_space<hbm>>
        tpu.enqueue_indirect_dma source(%dma_start3A_184 : memref<100000x128xf32, #tpu.memory_space<hbm>>) target(%arg11 : memref<64x128xf32, #tpu.memory_space<vmem>>) offsets(%dma_start3A_181 : memref<64xi32, #tpu.memory_space<vmem>>) semaphore(%arg19 : memref<!tpu.dma_semaphore, #tpu.memory_space<semaphore_mem>>)
      } else {
      }
      %mul3A_169 = arith.constant 64 : i32
      %mul3A_170 = arith.muli %add3A_147, %mul3A_169 : i32
      %add3A_171 = arith.addi %mul3A_2, %mul3A_170 : i32
      %dma_start3A_172 = arith.constant 0 : i32
      %dma_start3A_173 = tpu.memref_slice %arg5[%add3A_171, %dma_start3A_172] : memref<819200x128xf32, #tpu.memory_space<hbm>> -> memref<64x128xf32, #tpu.memory_space<hbm>>
      %dma_start3A_174 = arith.constant 0 : i32
      %dma_start3A_175 = tpu.memref_slice %arg5[%add3A_171, %dma_start3A_174] : memref<819200x128xf32, #tpu.memory_space<hbm>> -> memref<64x128xf32, #tpu.memory_space<hbm>>
      tpu.enqueue_dma source(%arg15 : memref<64x128xf32, #tpu.memory_space<vmem>>) target(%dma_start3A_175 : memref<64x128xf32, #tpu.memory_space<hbm>>) target_semaphore(%arg23 : memref<!tpu.dma_semaphore, #tpu.memory_space<semaphore_mem>>)
      %scan3A_176 = arith.constant 0 : i32
      scf.yield %scan3A_176 : i32
    }
    %scan3A_27 = arith.constant 100 : i32
    %dma_wait3A = arith.constant 0 : i32
    %dma_wait3A_28 = arith.constant 0 : i32
    %dma_wait3A_29 = tpu.memref_slice %arg5[%dma_wait3A, %dma_wait3A_28] : memref<819200x128xf32, #tpu.memory_space<hbm>> -> memref<64x128xf32, #tpu.memory_space<hbm>>
    %dma_wait3A_30 = arith.constant 0 : i32
    %dma_wait3A_31 = arith.constant 0 : i32
    %dma_wait3A_32 = tpu.memref_slice %arg5[%dma_wait3A_30, %dma_wait3A_31] : memref<819200x128xf32, #tpu.memory_space<hbm>> -> memref<64x128xf32, #tpu.memory_space<hbm>>
    tpu.wait_dma2 semaphore(%arg20 : memref<!tpu.dma_semaphore, #tpu.memory_space<semaphore_mem>>) src(%arg12 : memref<64x128xf32, #tpu.memory_space<vmem>>) dst(%dma_wait3A_32 : memref<64x128xf32, #tpu.memory_space<hbm>>)
    %dma_wait3A_33 = arith.constant 0 : i32
    %dma_wait3A_34 = arith.constant 0 : i32
    %dma_wait3A_35 = tpu.memref_slice %arg5[%dma_wait3A_33, %dma_wait3A_34] : memref<819200x128xf32, #tpu.memory_space<hbm>> -> memref<64x128xf32, #tpu.memory_space<hbm>>
    %dma_wait3A_36 = arith.constant 0 : i32
    %dma_wait3A_37 = arith.constant 0 : i32
    %dma_wait3A_38 = tpu.memref_slice %arg5[%dma_wait3A_36, %dma_wait3A_37] : memref<819200x128xf32, #tpu.memory_space<hbm>> -> memref<64x128xf32, #tpu.memory_space<hbm>>
    tpu.wait_dma2 semaphore(%arg21 : memref<!tpu.dma_semaphore, #tpu.memory_space<semaphore_mem>>) src(%arg13 : memref<64x128xf32, #tpu.memory_space<vmem>>) dst(%dma_wait3A_38 : memref<64x128xf32, #tpu.memory_space<hbm>>)
    %dma_wait3A_39 = arith.constant 0 : i32
    %dma_wait3A_40 = arith.constant 0 : i32
    %dma_wait3A_41 = tpu.memref_slice %arg5[%dma_wait3A_39, %dma_wait3A_40] : memref<819200x128xf32, #tpu.memory_space<hbm>> -> memref<64x128xf32, #tpu.memory_space<hbm>>
    %dma_wait3A_42 = arith.constant 0 : i32
    %dma_wait3A_43 = arith.constant 0 : i32
    %dma_wait3A_44 = tpu.memref_slice %arg5[%dma_wait3A_42, %dma_wait3A_43] : memref<819200x128xf32, #tpu.memory_space<hbm>> -> memref<64x128xf32, #tpu.memory_space<hbm>>
    tpu.wait_dma2 semaphore(%arg22 : memref<!tpu.dma_semaphore, #tpu.memory_space<semaphore_mem>>) src(%arg14 : memref<64x128xf32, #tpu.memory_space<vmem>>) dst(%dma_wait3A_44 : memref<64x128xf32, #tpu.memory_space<hbm>>)
    %dma_wait3A_45 = arith.constant 0 : i32
    %dma_wait3A_46 = arith.constant 0 : i32
    %dma_wait3A_47 = tpu.memref_slice %arg5[%dma_wait3A_45, %dma_wait3A_46] : memref<819200x128xf32, #tpu.memory_space<hbm>> -> memref<64x128xf32, #tpu.memory_space<hbm>>
    %dma_wait3A_48 = arith.constant 0 : i32
    %dma_wait3A_49 = arith.constant 0 : i32
    %dma_wait3A_50 = tpu.memref_slice %arg5[%dma_wait3A_48, %dma_wait3A_49] : memref<819200x128xf32, #tpu.memory_space<hbm>> -> memref<64x128xf32, #tpu.memory_space<hbm>>
    tpu.wait_dma2 semaphore(%arg23 : memref<!tpu.dma_semaphore, #tpu.memory_space<semaphore_mem>>) src(%arg15 : memref<64x128xf32, #tpu.memory_space<vmem>>) dst(%dma_wait3A_50 : memref<64x128xf32, #tpu.memory_space<hbm>>)
    return
  }
}

</mosaic_0001>

<sc_bundles>
// kernel: _embed.3.cloned.1.call-start
scs
__scs_entry_jumppad:
0x0: {  	(pc) =	sbr.rel $0x88, $3  }
0x1: {  	(tag) =	ssettag $0x0;
	lr =	simm.s32 $0x1  }
0x2: {  	[smem:$0x3F9E] =	sst lr;
	_ =	strace $0xD0000000  }
0x3: {  	_ = 	snop  }
0x4: {  	_ = 	snop  }
0x5: {  	_ = 	snop  }
0x6: {  	_ = 	snop  }
0x7: {  	_ = 	snop  }
__scs_overlays_trampoline_lowered:
0x8: {  	[smem:$0x3FAD] =	sst s0  }
0x9: {  	[smem:$0x3FAE] =	sst s1  }
0xa: {  	[smem:$0x3FAF] =	sst s2  }
0xb: {  	[smem:$0x3FB0] =	sst s3  }
0xc: {  	[smem:$0x3FB1] =	sst s4  }
0xd: {  	[smem:$0x3FB2] =	sst s5  }
0xe: {  	[smem:$0x3FB3] =	sst s6  }
0xf: {  	[smem:$0x3FB4] =	sst s7  }
0x10: {  	[smem:$0x3FB5] =	sst s8  }
0x11: {  	[smem:$0x3FB6] =	sst s9;
	s0 =	simm.s32 @!p0 $0x0  }
0x12: {  	s1 =	sld [smem:$0x3F9C];
	s0 =	simm.s32 @p0 $0x1  }
0x13: {  	[smem:$0x3FB7] =	sst s0;
	s0 =	simm.s32 @!p1 $0x0  }
0x14: {  	s2 =	sld [smem:$0x3F9B];
	s0 =	simm.s32 @p1 $0x1  }
0x15: {  	[smem:$0x3FB8] =	sst s0;
	s0 =	simm.s32 @!p2 $0x0  }
0x16: {  	s3 =	sld [smem:$0x3FDB];
	s0 =	simm.s32 @p2 $0x1  }
0x17: {  	s4 =	simm.s32 $0x1BF5;
	[smem:$0x3FBA] =	sst s0  }
0x18: {  	s0 =	sld [smem:$0x3F9D];
	_ =	swait.ge [sflag:s4], $0x0  }
0x19: {  	s7 =	sld [smem:$0x3F9E]  }
0x1a: {  	s8 =	sadd.s32 $0xFFFFE003, lr  }
0x1b: {  	s9 =	sadd.s32 $0xFFFFFEF7, lr;
	s5 =	simm.s32 $0xFFFFFFFF;
	p2 =	slt.u32 s8, $0xFFFFF086  }
0x1c: {  	p1 =	slt.u32 s9, $0xF7A;
	s5 =	simm.s32 @!p2 $0x0  }
0x1d: {  	s5 =	simm.s32 @p1 $0x1;
	p0 =	seq.s32 s7, s2  }
0x1e: {  	s7 =	smul.u32 @!p0 $0xF7A, s2;
	p2 =	seq.s32 @!p0 s5, $0x0  }
0x1f: {  	s9 =	smul.u32 $0xF7A, s1;
	s8 =	simm.s32 @!p0 $0x1BF5;
	p2 =	por !p2, p0  }
0x20: {  	[sflag:s8] =	ssyncset.s32 @!p0 $0xFFFFF086;
	s6 =	sadd.s32 @!p0 s3, s7;
	s7 =	simm.s32 @!p0 $0x108  }
0x21: {  	s3 =	sadd.s32 s3, s9;
	s6 =	sadd.s32 @!p0 $0x88, s6;
	s7 =	simm.s32 @p2 $0x1082  }
0x22: {  	[simem:s7], [sflag:s8] =	dma.local @!p0 [hbm:s6], $0xF7A  }
0x23: {  	s9 =	sor.u32 $0xD0000000, s2;
	s6 =	simm.s32 $0x108;
	_ =	swait.ge @!p0 [sflag:s8], $0x0  }
0x24: {  	s3 =	sadd.s32 $0x88, s3;
	s6 =	simm.s32 @!p1 $0x1082;
	[sflag:s4] =	ssyncset.s32 $0xFFFFF086  }
0x25: {  	[simem:s6], [sflag:s4] =	dma.local [hbm:s3], $0xF7A  }
0x26: {  	[smem:$0x3F9E] =	sst s1;
	(tag) =	ssettag s2;
	_ =	strace s9  }
0x27: {  	s1 =	sld [smem:$0x3FAE]  }
0x28: {  	s2 =	sld [smem:$0x3FAF]  }
0x29: {  	s4 =	sld [smem:$0x3FB1]  }
0x2a: {  	p0 =	seq.s32 s5, $0x0;
	s5 =	sld [smem:$0x3FB2]  }
0x2b: {  	s6 =	sld [smem:$0x3FB3]  }
0x2c: {  	s7 =	sld [smem:$0x3FB4]  }
0x2d: {  	s3 =	simm.s32 $0x108;
	s8 =	sld [smem:$0x3FB5]  }
0x2e: {  	s3 =	simm.s32 @!p0 $0x1082;
	s9 =	sld [smem:$0x3FB6]  }
0x2f: {  	lr =	sadd.s32 s0, s3;
	s0 =	sld [smem:$0x3FAD]  }
0x30: {  	s3 =	sld [smem:$0x3FB0]  }
0x31: {  	[smem:$0x3FB9] =	sst s10  }
0x32: {  	s10 =	sld [smem:$0x3FB7];
	_ =	sdelay $0x3  }
0x33: {  	p0 =	seq.s32 s10, $0x1;
	s10 =	sld [smem:$0x3FB9];
	_ =	sdelay $0x3  }
0x34: {  	[smem:$0x3FB9] =	sst s10  }
0x35: {  	s10 =	sld [smem:$0x3FB8];
	_ =	sdelay $0x3  }
0x36: {  	p1 =	seq.s32 s10, $0x1;
	s10 =	sld [smem:$0x3FB9];
	_ =	sdelay $0x3  }
0x37: {  	[smem:$0x3FB9] =	sst s10  }
0x38: {  	s10 =	sld [smem:$0x3FBA]  }
0x39: {  	_ = 	snop;
	(pc) =	sbr.ind lr, $3  }
0x3a: {  	_ = 	snop  }
0x3b: {  	_ = 	snop  }
0x3c: {  	p2 =	seq.s32 s10, $0x1;
	s10 =	sld [smem:$0x3FB9]  }
0x3d: {  	_ =	shalt  }
0x3e: {  	_ =	shalt  }
0x3f: {  	_ =	shalt  }
0x40: {  	_ =	shalt  }
0x41: {  	_ =	shalt  }
0x42: {  	_ =	shalt  }
0x43: {  	_ =	shalt  }
0x44: {  	_ =	shalt  }
0x45: {  	_ =	shalt  }
0x46: {  	_ =	shalt  }
0x47: {  	_ =	shalt  }
0x48: {  	_ =	shalt  }
0x49: {  	_ =	shalt  }
0x4a: {  	_ =	shalt  }
0x4b: {  	_ =	shalt  }
0x4c: {  	_ =	shalt  }
0x4d: {  	_ =	shalt  }
0x4e: {  	_ =	shalt  }
0x4f: {  	_ =	shalt  }
0x50: {  	_ =	shalt  }
0x51: {  	_ =	shalt  }
0x52: {  	_ =	shalt  }
0x53: {  	_ =	shalt  }
0x54: {  	_ =	shalt  }
0x55: {  	_ =	shalt  }
0x56: {  	_ =	shalt  }
0x57: {  	_ =	shalt  }
0x58: {  	_ =	shalt  }
0x59: {  	_ =	shalt  }
0x5a: {  	_ =	shalt  }
0x5b: {  	_ =	shalt  }
0x5c: {  	_ =	shalt  }
0x5d: {  	_ =	shalt  }
0x5e: {  	_ =	shalt  }
0x5f: {  	_ =	shalt  }
0x60: {  	_ =	shalt  }
0x61: {  	_ =	shalt  }
0x62: {  	_ =	shalt  }
0x63: {  	_ =	shalt  }
0x64: {  	_ =	shalt  }
0x65: {  	_ =	shalt  }
0x66: {  	_ =	shalt  }
0x67: {  	_ =	shalt  }
0x68: {  	_ =	shalt  }
0x69: {  	_ =	shalt  }
0x6a: {  	_ =	shalt  }
0x6b: {  	_ =	shalt  }
0x6c: {  	_ =	shalt  }
0x6d: {  	_ =	shalt  }
0x6e: {  	_ =	shalt  }
0x6f: {  	_ =	shalt  }
0x70: {  	_ =	shalt  }
0x71: {  	_ =	shalt  }
0x72: {  	_ =	shalt  }
0x73: {  	_ =	shalt  }
0x74: {  	_ =	shalt  }
0x75: {  	_ =	shalt  }
0x76: {  	_ =	shalt  }
0x77: {  	_ =	shalt  }
0x78: {  	_ =	shalt  }
0x79: {  	_ =	shalt  }
0x7a: {  	_ =	shalt  }
0x7b: {  	_ =	shalt  }
0x7c: {  	_ =	shalt  }
0x7d: {  	_ =	shalt  }
0x7e: {  	_ =	shalt  }
0x7f: {  	_ =	shalt  }
0x80: {  	_ =	shalt  }
0x81: {  	_ =	shalt  }
0x82: {  	_ =	shalt  }
0x83: {  	_ =	shalt  }
0x84: {  	_ =	shalt  }
0x85: {  	_ =	shalt  }
0x86: {  	_ =	shalt  }
0x87: {  	_ =	shalt  }
.Lfunc_end0:
.L_simem_size_0:
called_computation_lowered:
.L_overlay_start_0:
0x88: {  	s2 =	sld [smem:$0x3FD9]  }
0x89: {  	s3 =	sld [smem:$0x3FFE];
	_ =	sdelay $0x1  }
0x8a: {  	s1 =	srdreg.scid  }
0x8b: {  	s0 =	sand.u32 $0x1, s1  }
0x8c: {  	s18 =	sshll.u32 s0, $0xA;
	s2 =	sadd.s32 s3, s2  }
0x8d: {  	s2 =	sadd.s32 s2, s18  }
0x8e: {  	[smem:$0x3FC5] =	sst s2  }
0x8f: {  	_ = 	snop  }
0x90: {  	s2 =	sld [smem:$0x3FC9]  }
0x91: {  	s19 =	sld [smem:$0x3FC8]  }
0x92: {  	s4 =	sld [smem:$0x3FC7]  }
0x93: {  	s5 =	sld [smem:$0x3FD0];
	(tm) =	ssettm $0x1  }
0x94: {  	s6 =	sld [smem:$0x3FFB];
	_ =	sdelay $0x3  }
0x95: {  	_ =	strace s6  }
0x96: {  	s6 =	sld [smem:$0x3FFC];
	_ =	sdelay $0x3  }
0x97: {  	_ =	strace s6  }
0x98: {  	s6 =	sld [smem:$0x3FFD];
	_ =	sdelay $0x3  }
0x99: {  	_ =	strace s6  }
0x9a: {  	_ =	strace $0x8FFFFFFF  }
0x9b: {  	s20 =	sld [smem:$0x3FDB];
	_ =	sdelay $0x1  }
0x9c: {  	s7 =	simm.s32 $_scs_section_size  }
0x9d: {  	s8 =	simm.s32 $_size__tile_overlayer_lowered;
	s9 =	simm.s32 $_tile_overlayer_lowered  }
0x9e: {  	s23 =	simm.s32 $0x1BFF;
	s22 =	sshll.u32 s9, $0x1;
	s6 =	sadd.s32 s7, s20  }
0x9f: {  	s10 =	simm.s32 $0x0;
	s21 =	sshll.u32 s8, $0x1;
	s8 =	sadd.s32 s22, s6  }
0xa0: {  	[timem:s10], [sflag:s23] =	dma.local [hbm:s8], s21  }
0xa1: {  	_ =	swait.ge [sflag:s23], s21  }
0xa2: {  	s7 =	ssub.s32 $0x0, s21;
	[sflag:s23] =	ssyncset.done $0x0  }
0xa3: {  	[sflag:s23] =	ssyncadd.s32 s7;
	_ =	sdelay $0x1  }
0xa4: {  	s24 =	simm.s32 $0x1B8B  }
0xa5: {  	_ =	swait.ge [sflag:s24], $0x1  }
0xa6: {  	[sflag:s24] =	ssyncset.done $0x0  }
0xa7: {  	s25 =	simm.s32 $0x1B8E;
	[sflag:s24] =	ssyncadd.s32 $0xFFFFFFFF  }
0xa8: {  	s26 =	simm.s32 $execute0_lowered;
	[smem:$0x3FD2] =	sst s25  }
0xa9: {  	s7 =	sshll.u32 s26, $0x1;
	_ =	strace $0x80000046;
	[dreg:$0x1] =	wrdreg $0xFFFFFFFF  }
0xaa: {  	s28 =	simm.s32 $_size_execute0_lowered;
	s6 =	sadd.s32 s6, s7;
	[dreg:$0x0] =	wrdreg $0x0  }
0xab: {  	s7 =	sshll.u32 s28, $0x1;
	[dreg:$0x2] =	wrdreg s6  }
0xac: {  	[dreg:$0x3] =	wrdreg s7  }
0xad: {  	[dreg:$0x4] =	wrdreg $0xC0  }
0xae: {  	_ =	task [dreg:s10], $0x5FFFF  }
0xaf: {  	[dreg:$0x1] =	wrdreg $0xFFFFFFFF  }
0xb0: {  	[dreg:$0x0] =	wrdreg $0x60  }
0xb1: {  	[dreg:$0x2] =	wrdreg s19  }
0xb2: {  	[dreg:$0x3] =	wrdreg s2  }
0xb3: {  	[dreg:$0x4] =	wrdreg s4  }
0xb4: {  	[dreg:$0x5] =	wrdreg s5  }
0xb5: {  	[dreg:$0x6] =	wrdreg $0x9  }
0xb6: {  	_ =	task.clear_ibuf [dreg:s10], $0x7FFFF;
	_ =	strace $0x90000046  }
0xb7: {  	s29 =	simm.s32 $0x9;
	_ =	strace $0x80000048  }
0xb8: {  	_ =	swait.ge [sflag:s29], $0x1  }
0xb9: {  	[sflag:s29] =	ssyncadd.s32 $0xFFFFFFFF  }
0xba: {  	_ =	strace $0x90000048  }
0xbb: {  	_ =	sfence  }
0xbc: {  	s30 =	sld [smem:$0x0];
	_ =	sdelay $0x2  }
0xbd: {  	s31 =	sshll.u32 s1, $0xD;
	s1 =	sshrl.u32 s1, $0x2  }
0xbe: {  	s3 =	sand.u32 $0x4000, s31;
	s1 =	sadd.s32 s1, s30  }
0xbf: {  	s0 =	sor.u32 s3, s0;
	s1 =	sshll.u32 s1, $0x11  }
0xc0: {  	s0 =	sor.u32 s1, s0  }
0xc1: {  	s0 =	sadd.s32 $0x8F2B, s0  }
0xc2: {  	[sflag:s0] =	ssyncadd.remote.s32 $0x1  }
0xc3: {  	_ =	sfence.sel $0xFFFF  }
0xc4: {  	[dreg:$0x0] =	wrdreg $0xFFFFFFFF;
	(pc) =	sbr.abs _section_cstart, $3  }
0xc5: {  	[dreg:$0x1] =	wrdreg $0xFFFFFFFF  }
0xc6: {  	_ =	task.clear_ibuf [dreg:s10], $0x2FFFF;
	_ =	strace $0x9FFFFFFF  }
0xc7: {  	(tm) =	ssettm $0x7FFFFFFF  }
tec
execute0_lowered:
.L_overlay_start_1:
0x0: {  	(tag) =	ssettag $0x1  }
0x1: {  	s1 =	rddreg [dreg:$0x0]  }
0x2: {  	s0 =	rddreg [dreg:$0x1]  }
0x3: {  	s4 =	rddreg [dreg:$0x3]  }
0x4: {  	s2 =	srdreg.scid;
	s3 =	stileid.u32;
	s5 =	simm.s32 $0x0  }
0x5: {  	s14 =	simm.s32 $0x1;
	s2 =	sand.u32 $0x1, s2;
	s3 =	sshll.u32 s3, $0x1  }
0x6: {  	s16 =	simm.s32 $0x2;
	s6 =	ssub.s32 $0x2, s2;
	s2 =	sor.u32 s2, s3  }
0x7: {  	s18 =	simm.s32 $0x3;
	s19 =	simm.s32 $0x18800;
	s7 =	smul.u32 $0xC80, s2  }
0x8: {  	s20 =	simm.s32 $0x4;
	s21 =	simm.s32 $0x1A800;
	s30 =	sshrl.u32 s6, $0x1  }
0x9: {  	[smem:$0x7FF] =	sst s5;
	s3 =	ssub.s32 s6, s30;
	s0 =	sadd.s32 s0, s7  }
0xa: {  	_ =	strace $0x80000047;
	s31 =	smax.u32 s3, $0x1;
	[dreg:$0x5] =	wrdreg s0  }
0xb: {  	s7 =	smul.u32 $0x320000, s2;
	s3 =	simm.s32 $0x0;
	[dreg:$0x6] =	wrdreg s31  }
.LBB2_1:
0xc: {  	[dreg:$0x7] =	wrdreg s3  }
0xd: {  	s0 =	rddreg [dreg:$0x5];
	s2 =	simm.s32 $0x9  }
0xe: {  	[tilespmem:s5], [sflag:$0x9] =	stream.linear.gather [hbm4b:s0+s5], $0x6400, $0x38;
	[tilespmem:$0x1C800] =	vst v63  }
0xf: {  	_ =	swait.ge [sflag:s2], $0x6400  }
0x10: {  	[sflag:s2] =	ssyncset.done $0x0  }
0x11: {  	s28 =	simm.s32 $0x40;
	s22 =	simm.s32 $0xC800;
	[sflag:s2] =	ssyncadd.s32 $0xFFFF9C00  }
0x12: {  	[tilespmem:s22], [sflag:$0x1] =	stream.indirect.gather [hbm4b:s1+s28], $0x80, s5, s28, $0xb8;
	[tilespmem:$0x1C800] =	vst v63  }
0x13: {  	s23 =	simm.s32 $0xE800  }
0x14: {  	[tilespmem:s23], [sflag:$0x2] =	stream.indirect.gather [hbm4b:s1+s28], $0x80, s28, s28, $0xb8;
	[tilespmem:$0x1C800] =	vst v63  }
0x15: {  	s29 =	simm.s32 $0x80;
	s24 =	simm.s32 $0x10800  }
0x16: {  	[tilespmem:s24], [sflag:$0x3] =	stream.indirect.gather [hbm4b:s1+s28], $0x80, s29, s28, $0xb8;
	[tilespmem:$0x1C800] =	vst v63  }
0x17: {  	s30 =	simm.s32 $0xC0;
	s25 =	simm.s32 $0x12800  }
0x18: {  	[tilespmem:s25], [sflag:$0x4] =	stream.indirect.gather [hbm4b:s1+s28], $0x80, s30, s28, $0xb8;
	[tilespmem:$0x1C800] =	vst v63  }
0x19: {  	s31 =	simm.s32 $0x6400;
	s26 =	rddreg [dreg:$0x2]  }
0x1a: {  	[tilespmem:s31], [sflag:$0x9] =	stream.linear.gather [hbm4b:s26+s5], $0x6400, $0x38;
	[tilespmem:$0x1C800] =	vst v63  }
0x1b: {  	s3 =	simm.s32 $0x0;
	_ =	swait.ge [sflag:s2], $0x6400  }
0x1c: {  	s10 =	simm.s32 $0x0;
	s11 =	simm.s32 $0x0;
	[sflag:s2] =	ssyncset.done $0x0  }
0x1d: {  	s0 =	simm.s32 $0xA5F0;
	[sflag:s2] =	ssyncadd.s32 $0xFFFF9C00;
	s2 =	simm.s32 $0xC5F0  }
.LBB2_2:
0x1e: {  	_ =	swait.ge [sflag:s14], $0x2000;
	s6 =	smulhi.u32 $0x51EB851F, s10  }
0x1f: {  	p0 =	seq.s32 s11, $0x0;
	[sflag:s14] =	ssyncset.done $0x0  }
0x20: {  	s8 =	simm.s32 @!p0 $0x5;
	[sflag:s14] =	ssyncadd.s32 $0xFFFFE000;
	s6 =	sshrl.u32 s6, $0x6  }
0x21: {  	_ =	swait.ge @!p0 [sflag:s8], $0x2000;
	s6 =	smul.u32 $0xFFFE7000, s6  }
0x22: {  	[sflag:s8] =	ssyncset.done @!p0 $0x0  }
0x23: {  	s12 =	simm.s32 $0xC900;
	[sflag:s8] =	ssyncadd.s32 @!p0 $0xFFFFE000;
	s6 =	sshra.s32 s6, $0x2  }
0x24: {  	v0 =	vld [tilespmem:s12+$0x80];
	s9 =	sadd.s32 s6, s31  }
0x25: {  	v1 =	vld [tilespmem:s9+$0x180];
	_ =	sdelay $0x2  }
0x26: {  	v3 =	vld [tilespmem:s12+$0xFFFFFF00]  }
0x27: {  	v2 =	vld [tilespmem:s9+$0x0]  }
0x28: {  	v4 =	vld [tilespmem:s9+$0x80];
	v0 =	vadd.f32 v1, v0  }
0x29: {  	s13 =	simm.s32 $0x14900;
	v1 =	vld [tilespmem:s12+$0xFFFFFF80]  }
0x2a: {  	[tilespmem:s13+$0x80] =	vst v0  }
0x2b: {  	v0 =	vld [tilespmem:s12+$0x90]  }
0x2c: {  	v2 =	vadd.f32 v2, v3;
	v3 =	vld [tilespmem:s9+$0x190]  }
0x2d: {  	v6 =	vld [tilespmem:s12+$0x0]  }
0x2e: {  	v5 =	vld [tilespmem:s9+$0x100];
	[tilespmem:s13+$0xFFFFFF00] =	vst v2;
	v1 =	vadd.f32 v4, v1  }
0x2f: {  	v2 =	vld [tilespmem:s12+$0xFFFFFF10]  }
0x30: {  	[tilespmem:s13+$0xFFFFFF80] =	vst v1;
	v1 =	vld [tilespmem:s9+$0x10]  }
0x31: {  	v4 =	vld [tilespmem:s12+$0xFFFFFF90];
	v0 =	vadd.f32 v3, v0  }
0x32: {  	v3 =	vld [tilespmem:s9+$0x90]  }
0x33: {  	v5 =	vadd.f32 v5, v6;
	[tilespmem:s13+$0x90] =	vst v0  }
0x34: {  	v0 =	vld [tilespmem:s12+$0xA0]  }
0x35: {  	[tilespmem:s13+$0x0] =	vst v5;
	v1 =	vadd.f32 v1, v2;
	v2 =	vld [tilespmem:s9+$0x1A0]  }
0x36: {  	v5 =	vld [tilespmem:s12+$0x10]  }
0x37: {  	v6 =	vld [tilespmem:s9+$0x110];
	[tilespmem:s13+$0xFFFFFF10] =	vst v1;
	v1 =	vadd.f32 v3, v4  }
0x38: {  	v3 =	vld [tilespmem:s12+$0xFFFFFF20]  }
0x39: {  	v4 =	vld [tilespmem:s9+$0x20];
	[tilespmem:s13+$0xFFFFFF90] =	vst v1  }
0x3a: {  	v1 =	vld [tilespmem:s12+$0xFFFFFFA0];
	v0 =	vadd.f32 v2, v0  }
0x3b: {  	v2 =	vld [tilespmem:s9+$0xA0]  }
0x3c: {  	v5 =	vadd.f32 v6, v5;
	[tilespmem:s13+$0xA0] =	vst v0  }
0x3d: {  	v0 =	vld [tilespmem:s12+$0xB0]  }
0x3e: {  	[tilespmem:s13+$0x10] =	vst v5;
	v3 =	vadd.f32 v4, v3;
	v4 =	vld [tilespmem:s9+$0x1B0]  }
0x3f: {  	v5 =	vld [tilespmem:s12+$0x20]  }
0x40: {  	[tilespmem:s13+$0xFFFFFF20] =	vst v3;
	v1 =	vadd.f32 v2, v1;
	v2 =	vld [tilespmem:s9+$0x120]  }
0x41: {  	v3 =	vld [tilespmem:s12+$0xFFFFFF30]  }
0x42: {  	v6 =	vld [tilespmem:s9+$0x30];
	[tilespmem:s13+$0xFFFFFFA0] =	vst v1  }
0x43: {  	v1 =	vld [tilespmem:s12+$0xFFFFFFB0];
	v0 =	vadd.f32 v4, v0  }
0x44: {  	s22 =	simm.s32 $0xCB00;
	v4 =	vld [tilespmem:s9+$0xB0]  }
0x45: {  	v7 =	vld [tilespmem:s22+$0x80];
	v2 =	vadd.f32 v2, v5;
	[tilespmem:s13+$0xB0] =	vst v0  }
0x46: {  	v0 =	vld [tilespmem:s12+$0xC0]  }
0x47: {  	v3 =	vadd.f32 v6, v3;
	[tilespmem:s13+$0x20] =	vst v2;
	v2 =	vld [tilespmem:s9+$0x1C0]  }
0x48: {  	v5 =	vld [tilespmem:s12+$0x30]  }
0x49: {  	[tilespmem:s13+$0xFFFFFF30] =	vst v3;
	v1 =	vadd.f32 v4, v1;
	v3 =	vld [tilespmem:s9+$0x130]  }
0x4a: {  	v4 =	vld [tilespmem:s12+$0xFFFFFF40]  }
0x4b: {  	s15 =	sadd.s32 $0x4, s10;
	v6 =	vld [tilespmem:s9+$0x40];
	[tilespmem:s13+$0xFFFFFFB0] =	vst v1  }
0x4c: {  	s26 =	smulhi.u32 $0x51EB851F, s15;
	v1 =	vld [tilespmem:s12+$0xFFFFFFC0];
	v0 =	vadd.f32 v2, v0  }
0x4d: {  	v2 =	vld [tilespmem:s9+$0xC0]  }
0x4e: {  	s6 =	sshrl.u32 s26, $0x6;
	v13 =	vld [tilespmem:s22+$0xFFFFFF80];
	v3 =	vadd.f32 v3, v5;
	[tilespmem:s13+$0xC0] =	vst v0  }
0x4f: {  	s6 =	smul.u32 $0xFFFE7000, s6;
	v0 =	vld [tilespmem:s12+$0xD0]  }
0x50: {  	[tilespmem:s13+$0x30] =	vst v3;
	v3 =	vld [tilespmem:s9+$0x1D0]  }
0x51: {  	s23 =	sadd.s32 $0x200, s31;
	s6 =	sshra.s32 s6, $0x2;
	v4 =	vadd.f32 v6, v4;
	v5 =	vld [tilespmem:s12+$0x40]  }
0x52: {  	s8 =	sadd.s32 s6, s23;
	v1 =	vadd.f32 v2, v1;
	v2 =	vld [tilespmem:s9+$0x140]  }
0x53: {  	v11 =	vld [tilespmem:s8+$0x80];
	[tilespmem:s13+$0xFFFFFF40] =	vst v4  }
0x54: {  	v4 =	vld [tilespmem:s12+$0xFFFFFF50]  }
0x55: {  	v6 =	vld [tilespmem:s9+$0x50];
	[tilespmem:s13+$0xFFFFFFC0] =	vst v1;
	v0 =	vadd.f32 v3, v0  }
0x56: {  	v1 =	vld [tilespmem:s12+$0xFFFFFFD0]  }
0x57: {  	v3 =	vld [tilespmem:s9+$0xD0];
	v2 =	vadd.f32 v2, v5;
	[tilespmem:s13+$0xD0] =	vst v0  }
0x58: {  	v0 =	vld [tilespmem:s12+$0xE0]  }
0x59: {  	v44 =	vadd.f32 v11, v13;
	[tilespmem:s13+$0x40] =	vst v2;
	v2 =	vld [tilespmem:s9+$0x1E0]  }
0x5a: {  	s6 =	simm.s32 $0x14B00;
	v10 =	vld [tilespmem:s8+$0x0]  }
0x5b: {  	v12 =	vld [tilespmem:s8+$0x100];
	[tilespmem:s6+$0xFFFFFF80] =	vst v44  }
0x5c: {  	v47 =	vld [tilespmem:s22+$0xFFFFFF90];
	v4 =	vadd.f32 v6, v4  }
0x5d: {  	v5 =	vld [tilespmem:s12+$0x50]  }
0x5e: {  	[tilespmem:s13+$0xFFFFFF50] =	vst v4;
	v1 =	vadd.f32 v3, v1;
	v3 =	vld [tilespmem:s9+$0x150];
	v0 =	vadd.f32 v2, v0  }
0x5f: {  	v4 =	vld [tilespmem:s12+$0xFFFFFF60]  }
0x60: {  	[tilespmem:s13+$0xE0] =	vst v0;
	v0 =	vld [tilespmem:s8+$0x180]  }
0x61: {  	v6 =	vld [tilespmem:s9+$0x60];
	[tilespmem:s13+$0xFFFFFFD0] =	vst v1  }
0x62: {  	v1 =	vld [tilespmem:s12+$0xFFFFFFE0]  }
0x63: {  	v2 =	vld [tilespmem:s9+$0xE0]  }
0x64: {  	v3 =	vadd.f32 v3, v5;
	v5 =	vld [tilespmem:s22+$0xFFFFFF00]  }
0x65: {  	v8 =	vld [tilespmem:s12+$0xF0];
	v0 =	vadd.f32 v0, v7  }
0x66: {  	v9 =	vld [tilespmem:s9+$0x1F0];
	[tilespmem:s13+$0x50] =	vst v3  }
0x67: {  	v3 =	vld [tilespmem:s22+$0x0];
	[tilespmem:s6+$0x80] =	vst v0  }
0x68: {  	v4 =	vadd.f32 v6, v4;
	v6 =	vld [tilespmem:s22+$0x90]  }
0x69: {  	v5 =	vadd.f32 v10, v5;
	v7 =	vld [tilespmem:s8+$0x190]  }
0x6a: {  	[tilespmem:s13+$0xFFFFFF60] =	vst v4;
	v4 =	vld [tilespmem:s9+$0x160]  }
0x6b: {  	v50 =	vld [tilespmem:s9+$0x70];
	[tilespmem:s6+$0xFFFFFF00] =	vst v5  }
0x6c: {  	v45 =	vld [tilespmem:s22+$0xFFFFFF10]  }
0x6d: {  	v3 =	vadd.f32 v12, v3;
	v46 =	vld [tilespmem:s8+$0x10]  }
0x6e: {  	v5 =	vld [tilespmem:s12+$0xFFFFFF70];
	v6 =	vadd.f32 v7, v6  }
0x6f: {  	[tilespmem:s6+$0x0] =	vst v3;
	v3 =	vld [tilespmem:s8+$0x90]  }
0x70: {  	v0 =	vld [tilespmem:s12+$0x60];
	[tilespmem:s6+$0x90] =	vst v6  }
0x71: {  	v6 =	vld [tilespmem:s22+$0xA0]  }
0x72: {  	v10 =	vadd.f32 v46, v45;
	v48 =	vld [tilespmem:s8+$0x1A0]  }
0x73: {  	v49 =	vld [tilespmem:s8+$0x110]  }
0x74: {  	v7 =	vld [tilespmem:s22+$0x10];
	v3 =	vadd.f32 v3, v47;
	[tilespmem:s6+$0xFFFFFF10] =	vst v10  }
0x75: {  	v1 =	vadd.f32 v2, v1;
	v51 =	vld [tilespmem:s22+$0xFFFFFF20]  }
0x76: {  	v0 =	vadd.f32 v4, v0;
	v2 =	vld [tilespmem:s8+$0x20];
	[tilespmem:s6+$0xFFFFFF90] =	vst v3  }
0x77: {  	[tilespmem:s13+$0xFFFFFFE0] =	vst v1;
	v3 =	vld [tilespmem:s22+$0xFFFFFFA0];
	v6 =	vadd.f32 v48, v6  }
0x78: {  	[tilespmem:s13+$0x60] =	vst v0;
	v1 =	vld [tilespmem:s8+$0xA0]  }
0x79: {  	v0 =	vld [tilespmem:s12+$0x70];
	v7 =	vadd.f32 v49, v7;
	[tilespmem:s6+$0xA0] =	vst v6  }
0x7a: {  	v52 =	vld [tilespmem:s22+$0xB0]  }
0x7b: {  	[tilespmem:s6+$0x10] =	vst v7;
	v2 =	vadd.f32 v2, v51;
	v7 =	vld [tilespmem:s8+$0x1B0]  }
0x7c: {  	v53 =	vld [tilespmem:s22+$0x20]  }
0x7d: {  	v1 =	vadd.f32 v1, v3;
	[tilespmem:s6+$0xFFFFFF20] =	vst v2;
	v2 =	vld [tilespmem:s8+$0x120]  }
0x7e: {  	v3 =	vld [tilespmem:s22+$0xFFFFFF30]  }
0x7f: {  	v54 =	vld [tilespmem:s8+$0x30];
	[tilespmem:s6+$0xFFFFFFA0] =	vst v1  }
0x80: {  	v1 =	vld [tilespmem:s22+$0xFFFFFFB0];
	v7 =	vadd.f32 v7, v52  }
0x81: {  	v55 =	vld [tilespmem:s8+$0xB0]  }
0x82: {  	v6 =	vld [tilespmem:s12+$0xFFFFFFF0];
	v2 =	vadd.f32 v2, v53;
	[tilespmem:s6+$0xB0] =	vst v7  }
0x83: {  	v56 =	vld [tilespmem:s22+$0xC0]  }
0x84: {  	v3 =	vadd.f32 v54, v3;
	[tilespmem:s6+$0x20] =	vst v2;
	v2 =	vld [tilespmem:s8+$0x1C0]  }
0x85: {  	v57 =	vld [tilespmem:s22+$0x30]  }
0x86: {  	v1 =	vadd.f32 v55, v1;
	[tilespmem:s6+$0xFFFFFF30] =	vst v3;
	v3 =	vld [tilespmem:s8+$0x130]  }
0x87: {  	v58 =	vld [tilespmem:s22+$0xFFFFFF40]  }
0x88: {  	[tilespmem:s6+$0xFFFFFFB0] =	vst v1;
	v1 =	vld [tilespmem:s8+$0x40]  }
0x89: {  	v4 =	vld [tilespmem:s22+$0xFFFFFFC0];
	v2 =	vadd.f32 v2, v56  }
0x8a: {  	v59 =	vld [tilespmem:s8+$0xC0]  }
0x8b: {  	v7 =	vld [tilespmem:s9+$0xF0];
	v3 =	vadd.f32 v3, v57;
	[tilespmem:s6+$0xC0] =	vst v2  }
0x8c: {  	v2 =	vld [tilespmem:s22+$0xD0]  }
0x8d: {  	v1 =	vadd.f32 v1, v58;
	[tilespmem:s6+$0x30] =	vst v3;
	v3 =	vld [tilespmem:s8+$0x1D0]  }
0x8e: {  	v60 =	vld [tilespmem:s22+$0x40]  }
0x8f: {  	[tilespmem:s6+$0xFFFFFF40] =	vst v1;
	v1 =	vadd.f32 v59, v4;
	v4 =	vld [tilespmem:s8+$0x140]  }
0x90: {  	v61 =	vld [tilespmem:s22+$0xFFFFFF50]  }
0x91: {  	v8 =	vadd.f32 v9, v8;
	v62 =	vld [tilespmem:s8+$0x50];
	[tilespmem:s6+$0xFFFFFFC0] =	vst v1  }
0x92: {  	v63 =	vld [tilespmem:s22+$0xFFFFFFD0];
	v1 =	vadd.f32 v3, v2  }
0x93: {  	[tilespmem:s13+$0xF0] =	vst v8;
	v2 =	vadd.f32 v50, v5;
	v5 =	vld [tilespmem:s8+$0xD0]  }
0x94: {  	v3 =	vadd.f32 v4, v60;
	[tilespmem:s6+$0xD0] =	vst v1;
	v1 =	vld [tilespmem:s9+$0x170]  }
0x95: {  	v4 =	vadd.f32 v7, v6;
	[tilespmem:s13+$0xFFFFFF70] =	vst v2;
	v2 =	vld [tilespmem:s22+$0xE0]  }
0x96: {  	v6 =	vadd.f32 v62, v61;
	[tilespmem:s6+$0x40] =	vst v3;
	v3 =	vld [tilespmem:s8+$0x1E0]  }
0x97: {  	s24 =	simm.s32 $0xCB00;
	[tilespmem:s13+$0xFFFFFFF0] =	vst v4;
	v4 =	vld [tilespmem:s22+$0x50]  }
0x98: {  	s25 =	sadd.s32 $0x4, s15;
	s12 =	sshll.u32 s11, $0x2;
	s9 =	simm.s32 $0x4;
	[tilespmem:s6+$0xFFFFFF50] =	vst v6;
	v6 =	vadd.f32 v5, v63;
	v5 =	vld [tilespmem:s8+$0x150]  }
.LBB2_3:
0x99: {  	s15 =	smulhi.u32 $0x51EB851F, s25;
	v7 =	vld [tilespmem:s22+$0xFFFFFF60];
	v0 =	vadd.f32 v1, v0  }
0x9a: {  	v1 =	vld [tilespmem:s8+$0x60];
	[tilespmem:s6+$0xFFFFFFD0] =	vst v6  }
0x9b: {  	s15 =	sshrl.u32 s15, $0x6;
	v6 =	vld [tilespmem:s22+$0xFFFFFFE0];
	v2 =	vadd.f32 v3, v2;
	[tilespmem:s13+$0x70] =	vst v0;
	s13 =	smov.u32 s6  }
0x9c: {  	s22 =	sadd.s32 $0x200, s22;
	s15 =	smul.u32 $0xFFFE7000, s15;
	v0 =	vld [tilespmem:s8+$0xE0]  }
0x9d: {  	v3 =	vld [tilespmem:s22+$0x80];
	v4 =	vadd.f32 v5, v4;
	[tilespmem:s6+$0xE0] =	vst v2  }
0x9e: {  	s23 =	sadd.s32 $0x200, s23;
	s15 =	sshra.s32 s15, $0x2;
	v2 =	vld [tilespmem:s24+$0xF0]  }
0x9f: {  	s15 =	sadd.s32 s15, s23;
	v1 =	vadd.f32 v1, v7;
	[tilespmem:s6+$0x50] =	vst v4;
	v4 =	vld [tilespmem:s8+$0x1F0]  }
0xa0: {  	s9 =	sadd.s32 $0x4, s9;
	v5 =	vld [tilespmem:s15+$0x180]  }
0xa1: {  	p1 =	slt.u32 s9, $0x3C;
	v7 =	vld [tilespmem:s15+$0x0];
	[tilespmem:s6+$0xFFFFFF60] =	vst v1;
	v0 =	vadd.f32 v0, v6  }
0xa2: {  	v1 =	vld [tilespmem:s15+$0x80]  }
0xa3: {  	v6 =	vld [tilespmem:s15+$0x100];
	[tilespmem:s6+$0xFFFFFFE0] =	vst v0  }
0xa4: {  	v0 =	vld [tilespmem:s22+$0xFFFFFF00];
	v2 =	vadd.f32 v4, v2  }
0xa5: {  	v4 =	vld [tilespmem:s22+$0xFFFFFF80];
	v3 =	vadd.f32 v5, v3  }
0xa6: {  	s6 =	sadd.s32 $0x200, s6;
	v5 =	vld [tilespmem:s22+$0x0];
	[tilespmem:s13+$0xF0] =	vst v2  }
0xa7: {  	[tilespmem:s6+$0x80] =	vst v3;
	v2 =	vld [tilespmem:s24+$0x60]  }
0xa8: {  	v3 =	vld [tilespmem:s22+$0x90]  }
0xa9: {  	v0 =	vadd.f32 v7, v0;
	v7 =	vld [tilespmem:s15+$0x190]  }
0xaa: {  	v1 =	vadd.f32 v1, v4;
	v4 =	vld [tilespmem:s8+$0x160]  }
0xab: {  	[tilespmem:s6+$0xFFFFFF00] =	vst v0;
	v0 =	vadd.f32 v6, v5;
	v5 =	vld [tilespmem:s24+$0xFFFFFF70]  }
0xac: {  	v6 =	vld [tilespmem:s22+$0xFFFFFF10];
	[tilespmem:s6+$0xFFFFFF80] =	vst v1  }
0xad: {  	v1 =	vld [tilespmem:s15+$0x10];
	[tilespmem:s6+$0x0] =	vst v0  }
0xae: {  	v0 =	vld [tilespmem:s22+$0xFFFFFF90];
	v3 =	vadd.f32 v7, v3  }
0xaf: {  	v7 =	vld [tilespmem:s15+$0x90];
	v2 =	vadd.f32 v4, v2  }
0xb0: {  	v4 =	vld [tilespmem:s22+$0x10];
	[tilespmem:s6+$0x90] =	vst v3  }
0xb1: {  	v3 =	vld [tilespmem:s22+$0xA0];
	[tilespmem:s13+$0x60] =	vst v2  }
0xb2: {  	v1 =	vadd.f32 v1, v6;
	v2 =	vld [tilespmem:s15+$0x1A0]  }
0xb3: {  	v6 =	vld [tilespmem:s15+$0x110]  }
0xb4: {  	[tilespmem:s6+$0xFFFFFF10] =	vst v1;
	v0 =	vadd.f32 v7, v0;
	v1 =	vld [tilespmem:s8+$0x70]  }
0xb5: {  	v7 =	vld [tilespmem:s22+$0xFFFFFF20]  }
0xb6: {  	v8 =	vld [tilespmem:s15+$0x20];
	[tilespmem:s6+$0xFFFFFF90] =	vst v0  }
0xb7: {  	v0 =	vld [tilespmem:s22+$0xFFFFFFA0];
	v2 =	vadd.f32 v2, v3  }
0xb8: {  	v3 =	vld [tilespmem:s15+$0xA0];
	v4 =	vadd.f32 v6, v4  }
0xb9: {  	[tilespmem:s6+$0xA0] =	vst v2;
	v1 =	vadd.f32 v1, v5;
	v2 =	vld [tilespmem:s24+$0xFFFFFFF0]  }
0xba: {  	[tilespmem:s6+$0x10] =	vst v4;
	v4 =	vld [tilespmem:s22+$0xB0]  }
0xbb: {  	v5 =	vadd.f32 v8, v7;
	v6 =	vld [tilespmem:s15+$0x1B0];
	[tilespmem:s13+$0xFFFFFF70] =	vst v1  }
0xbc: {  	v1 =	vld [tilespmem:s22+$0x20]  }
0xbd: {  	[tilespmem:s6+$0xFFFFFF20] =	vst v5;
	v0 =	vadd.f32 v3, v0;
	v3 =	vld [tilespmem:s15+$0x120]  }
0xbe: {  	v5 =	vld [tilespmem:s22+$0xFFFFFF30]  }
0xbf: {  	v7 =	vld [tilespmem:s15+$0x30];
	[tilespmem:s6+$0xFFFFFFA0] =	vst v0  }
0xc0: {  	v0 =	vld [tilespmem:s22+$0xFFFFFFB0];
	v4 =	vadd.f32 v6, v4  }
0xc1: {  	v6 =	vld [tilespmem:s15+$0xB0]  }
0xc2: {  	v1 =	vadd.f32 v3, v1;
	[tilespmem:s6+$0xB0] =	vst v4;
	v3 =	vld [tilespmem:s8+$0xF0]  }
0xc3: {  	v4 =	vld [tilespmem:s22+$0xC0]  }
0xc4: {  	v5 =	vadd.f32 v7, v5;
	[tilespmem:s6+$0x20] =	vst v1;
	v1 =	vld [tilespmem:s15+$0x1C0]  }
0xc5: {  	v7 =	vld [tilespmem:s22+$0x30]  }
0xc6: {  	[tilespmem:s6+$0xFFFFFF30] =	vst v5;
	v0 =	vadd.f32 v6, v0;
	v5 =	vld [tilespmem:s15+$0x130]  }
0xc7: {  	v6 =	vld [tilespmem:s22+$0xFFFFFF40];
	v2 =	vadd.f32 v3, v2  }
0xc8: {  	v3 =	vld [tilespmem:s15+$0x40];
	[tilespmem:s6+$0xFFFFFFB0] =	vst v0  }
0xc9: {  	v8 =	vld [tilespmem:s22+$0xFFFFFFC0];
	v0 =	vadd.f32 v1, v4;
	[tilespmem:s13+$0xFFFFFFF0] =	vst v2  }
0xca: {  	v1 =	vld [tilespmem:s15+$0xC0]  }
0xcb: {  	v2 =	vadd.f32 v5, v7;
	[tilespmem:s6+$0xC0] =	vst v0;
	v0 =	vld [tilespmem:s24+$0x70];
	s24 =	smov.u32 s22  }
0xcc: {  	v4 =	vld [tilespmem:s22+$0xD0]  }
0xcd: {  	v3 =	vadd.f32 v3, v6;
	[tilespmem:s6+$0x30] =	vst v2;
	v2 =	vld [tilespmem:s15+$0x1D0]  }
0xce: {  	v5 =	vld [tilespmem:s22+$0x40]  }
0xcf: {  	[tilespmem:s6+$0xFFFFFF40] =	vst v3;
	v1 =	vadd.f32 v1, v8;
	v3 =	vld [tilespmem:s15+$0x140]  }
0xd0: {  	v6 =	vld [tilespmem:s22+$0xFFFFFF50]  }
0xd1: {  	v7 =	vld [tilespmem:s15+$0x50];
	[tilespmem:s6+$0xFFFFFFC0] =	vst v1  }
0xd2: {  	v8 =	vld [tilespmem:s22+$0xFFFFFFD0];
	v1 =	vadd.f32 v2, v4  }
0xd3: {  	v9 =	vld [tilespmem:s15+$0xD0]  }
.Ltmp0:
0xd4: {  	v3 =	vadd.f32 v3, v5;
	[tilespmem:s6+$0xD0] =	vst v1;
	v1 =	vld [tilespmem:s8+$0x170];
	s8 =	smov.u32 s15;
	(pc) =	sbr.rel @p1 .LBB2_3-.Ltmp0, $4  }
0xd5: {  	v2 =	vld [tilespmem:s22+$0xE0]  }
0xd6: {  	v5 =	vadd.f32 v7, v6;
	[tilespmem:s6+$0x40] =	vst v3;
	v3 =	vld [tilespmem:s8+$0x1E0]  }
0xd7: {  	v4 =	vld [tilespmem:s22+$0x50]  }
0xd8: {  	s25 =	sadd.s32 $0x4, s25;
	[tilespmem:s6+$0xFFFFFF50] =	vst v5;
	v6 =	vadd.f32 v9, v8;
	v5 =	vld [tilespmem:s8+$0x150]  }
0xd9: {  	_ =	sdelay $0x2  }
0xda: {  	v7 =	vld [tilespmem:s22+$0xFFFFFF60]  }
0xdb: {  	v8 =	vld [tilespmem:s8+$0x60];
	[tilespmem:s6+$0xFFFFFFD0] =	vst v6;
	v4 =	vadd.f32 v5, v4  }
0xdc: {  	v6 =	vld [tilespmem:s8+$0xE0]  }
0xdd: {  	v5 =	vld [tilespmem:s22+$0xFFFFFFE0];
	[tilespmem:s6+$0x50] =	vst v4  }
0xde: {  	v2 =	vadd.f32 v3, v2;
	v3 =	vld [tilespmem:s24+$0x60]  }
0xdf: {  	v4 =	vld [tilespmem:s8+$0x160]  }
0xe0: {  	[tilespmem:s6+$0xE0] =	vst v2;
	v2 =	vadd.f32 v8, v7  }
0xe1: {  	v7 =	vld [tilespmem:s24+$0xF0]  }
0xe2: {  	v8 =	vld [tilespmem:s8+$0x1F0];
	[tilespmem:s6+$0xFFFFFF60] =	vst v2;
	v2 =	vadd.f32 v6, v5  }
0xe3: {  	v5 =	vld [tilespmem:s24+$0xFFFFFF70]  }
0xe4: {  	[tilespmem:s6+$0xFFFFFFE0] =	vst v2;
	v2 =	vadd.f32 v4, v3;
	v3 =	vld [tilespmem:s8+$0x70]  }
0xe5: {  	v4 =	vld [tilespmem:s24+$0xFFFFFFF0]  }
0xe6: {  	[tilespmem:s6+$0x60] =	vst v2;
	v2 =	vld [tilespmem:s8+$0xF0]  }
0xe7: {  	v6 =	vld [tilespmem:s24+$0x70]  }
0xe8: {  	v9 =	vld [tilespmem:s8+$0x170]  }
0xe9: {  	v0 =	vadd.f32 v1, v0  }
0xea: {  	v1 =	vadd.f32 v8, v7  }
0xeb: {  	[tilespmem:s13+$0x70] =	vst v0;
	v0 =	vadd.f32 v3, v5  }
0xec: {  	p1 =	seq.s32 s11, $0x63;
	[tilespmem:s6+$0xF0] =	vst v1;
	v1 =	vadd.f32 v2, v4  }
0xed: {  	s8 =	sshll.u32 @!p1 s11, $0x8;
	[tilespmem:s6+$0xFFFFFF70] =	vst v0;
	v0 =	vadd.f32 v9, v6  }
0xee: {  	s9 =	simm.s32 @!p1 $0xC800;
	s13 =	sand.u32 @!p1 $0x3FFFFF00, s8;
	[tilespmem:s6+$0xFFFFFFF0] =	vst v1  }
0xef: {  	s22 =	sshll.u32 s11, $0xF;
	s8 =	simm.s32 @!p1 $0x40;
	[tilespmem:s6+$0x70] =	vst v0;
	s6 =	sadd.s32 @!p1 $0x100, s13  }
0xf0: {  	[tilespmem:s9], [sflag:$0x1] =	stream.indirect.gather @!p1 [hbm4b:s1+s8], $0x80, s6, s8, $0xb8;
	[tilespmem:$0x1C800] =	vst v63  }
0xf1: {  	s6 =	sadd.s32 s7, s22  }
0xf2: {  	s6 =	sshrl.u32 s6, $0x3  }
0xf3: {  	s23 =	simm.s32 $0x14800;
	s24 =	smulhi.u32 $0x51EB851F, s28;
	s6 =	sadd.s32 s4, s6  }
0xf4: {  	[hbm4b:s6+s5] =	stream.linear.scatter [tilespmem:s23], [sflag:$0x5], $0x2000, $0x38;
	[tilespmem:$0x1C800] =	vst v63  }
0xf5: {  	_ =	swait.ge [sflag:s16], $0x2000  }
0xf6: {  	s6 =	sshrl.u32 s24, $0x6;
	[sflag:s16] =	ssyncset.done $0x0  }
0xf7: {  	s8 =	simm.s32 @!p0 $0x6;
	s6 =	smul.u32 $0x19000, s6;
	[sflag:s16] =	ssyncadd.s32 $0xFFFFE000  }
0xf8: {  	_ =	swait.ge @!p0 [sflag:s8], $0x2000  }
0xf9: {  	s25 =	ssub.s32 s3, s6;
	[sflag:s8] =	ssyncset.done @!p0 $0x0  }
0xfa: {  	s6 =	simm.s32 $0x0;
	s26 =	sshra.s32 s25, $0x2;
	[sflag:s8] =	ssyncadd.s32 @!p0 $0xFFFFE000  }
0xfb: {  	s8 =	sadd.s32 $0x0, s26;
	v0 =	vld [tilespmem:s6+$0xE980]  }
0xfc: {  	v1 =	vld [tilespmem:s8+$0x8580]  }
0xfd: {  	v2 =	vld [tilespmem:s8+$0x8400]  }
0xfe: {  	v5 =	vld [tilespmem:s6+$0xE800]  }
0xff: {  	v3 =	vld [tilespmem:s8+$0x8480]  }
0x100: {  	v4 =	vld [tilespmem:s8+$0x8500]  }
0x101: {  	v6 =	vld [tilespmem:s6+$0xE900]  }
0x102: {  	v0 =	vadd.f32 v1, v0;
	v1 =	vld [tilespmem:s6+$0xE880]  }
0x103: {  	v2 =	vadd.f32 v2, v5;
	v5 =	vld [tilespmem:s6+$0xE810]  }
0x104: {  	[tilespmem:s6+$0x16980] =	vst v0;
	v0 =	vld [tilespmem:s6+$0xE990]  }
0x105: {  	[tilespmem:s6+$0x16800] =	vst v2;
	v7 =	vld [tilespmem:s8+$0x8590]  }
0x106: {  	v2 =	vadd.f32 v4, v6;
	v6 =	vld [tilespmem:s8+$0x8410]  }
0x107: {  	v4 =	vld [tilespmem:s6+$0xE910];
	v1 =	vadd.f32 v3, v1  }
0x108: {  	[tilespmem:s6+$0x16900] =	vst v2;
	v3 =	vld [tilespmem:s6+$0xE890]  }
0x109: {  	v2 =	vld [tilespmem:s8+$0x8510];
	[tilespmem:s6+$0x16880] =	vst v1  }
0x10a: {  	v0 =	vadd.f32 v7, v0;
	v1 =	vld [tilespmem:s8+$0x8490]  }
0x10b: {  	v5 =	vadd.f32 v6, v5;
	v6 =	vld [tilespmem:s6+$0xE820]  }
0x10c: {  	[tilespmem:s6+$0x16990] =	vst v0;
	v0 =	vld [tilespmem:s6+$0xE9A0]  }
0x10d: {  	[tilespmem:s6+$0x16810] =	vst v5;
	v7 =	vld [tilespmem:s8+$0x85A0]  }
0x10e: {  	v2 =	vadd.f32 v2, v4;
	v5 =	vld [tilespmem:s8+$0x8420]  }
0x10f: {  	v4 =	vld [tilespmem:s6+$0xE920];
	v1 =	vadd.f32 v1, v3  }
0x110: {  	[tilespmem:s6+$0x16910] =	vst v2;
	v3 =	vld [tilespmem:s6+$0xE8A0]  }
0x111: {  	v2 =	vld [tilespmem:s8+$0x8520];
	[tilespmem:s6+$0x16890] =	vst v1  }
0x112: {  	v0 =	vadd.f32 v7, v0;
	v1 =	vld [tilespmem:s8+$0x84A0]  }
0x113: {  	v5 =	vadd.f32 v5, v6;
	v6 =	vld [tilespmem:s6+$0xE830]  }
0x114: {  	[tilespmem:s6+$0x169A0] =	vst v0;
	v0 =	vld [tilespmem:s6+$0xE9B0]  }
0x115: {  	[tilespmem:s6+$0x16820] =	vst v5;
	v7 =	vld [tilespmem:s8+$0x85B0]  }
0x116: {  	v2 =	vadd.f32 v2, v4;
	v5 =	vld [tilespmem:s8+$0x8430]  }
0x117: {  	v4 =	vld [tilespmem:s6+$0xE930];
	v1 =	vadd.f32 v1, v3  }
0x118: {  	[tilespmem:s6+$0x16920] =	vst v2;
	v3 =	vld [tilespmem:s6+$0xE8B0]  }
0x119: {  	v2 =	vld [tilespmem:s8+$0x8530];
	[tilespmem:s6+$0x168A0] =	vst v1  }
0x11a: {  	v0 =	vadd.f32 v7, v0;
	v1 =	vld [tilespmem:s8+$0x84B0]  }
0x11b: {  	v5 =	vadd.f32 v5, v6;
	v6 =	vld [tilespmem:s6+$0xE840]  }
0x11c: {  	[tilespmem:s6+$0x169B0] =	vst v0;
	v0 =	vld [tilespmem:s6+$0xE9C0]  }
0x11d: {  	v7 =	vld [tilespmem:s8+$0x85C0]  }
0x11e: {  	[tilespmem:s6+$0x16830] =	vst v5;
	v2 =	vadd.f32 v2, v4;
	v4 =	vld [tilespmem:s6+$0xE940]  }
0x11f: {  	v5 =	vld [tilespmem:s8+$0x8440];
	v1 =	vadd.f32 v1, v3  }
0x120: {  	[tilespmem:s6+$0x16930] =	vst v2;
	v3 =	vld [tilespmem:s6+$0xE8C0]  }
0x121: {  	v2 =	vld [tilespmem:s8+$0x8540];
	[tilespmem:s6+$0x168B0] =	vst v1  }
0x122: {  	v0 =	vadd.f32 v7, v0;
	v1 =	vld [tilespmem:s8+$0x84C0];
	_ =	sdelay $0x1  }
0x123: {  	[tilespmem:s6+$0x169C0] =	vst v0;
	v0 =	vld [tilespmem:s6+$0xE9D0]  }
0x124: {  	v5 =	vadd.f32 v5, v6;
	v7 =	vld [tilespmem:s8+$0x85D0]  }
0x125: {  	v6 =	vld [tilespmem:s6+$0xE850]  }
0x126: {  	[tilespmem:s6+$0x16840] =	vst v5;
	v2 =	vadd.f32 v2, v4;
	v4 =	vld [tilespmem:s6+$0xE950];
	v1 =	vadd.f32 v1, v3  }
0x127: {  	v5 =	vld [tilespmem:s8+$0x8450]  }
0x128: {  	v3 =	vld [tilespmem:s6+$0xE8D0];
	[tilespmem:s6+$0x168C0] =	vst v1  }
0x129: {  	[tilespmem:s6+$0x16940] =	vst v2;
	v0 =	vadd.f32 v7, v0;
	v1 =	vld [tilespmem:s8+$0x84D0]  }
0x12a: {  	v7 =	vld [tilespmem:s8+$0x8550]  }
0x12b: {  	v8 =	vld [tilespmem:s6+$0xE9E0];
	[tilespmem:s6+$0x169D0] =	vst v0  }
0x12c: {  	v0 =	vadd.f32 v5, v6;
	v63 =	vld [tilespmem:s8+$0x85E0]  }
0x12d: {  	v2 =	vld [tilespmem:s6+$0xE860]  }
0x12e: {  	[tilespmem:s6+$0x16850] =	vst v0;
	v0 =	vld [tilespmem:s6+$0xE960];
	v3 =	vadd.f32 v1, v3  }
0x12f: {  	v1 =	vld [tilespmem:s6+$0xE8E0];
	v4 =	vadd.f32 v7, v4  }
0x130: {  	v5 =	vld [tilespmem:s8+$0x8460];
	[tilespmem:s6+$0x168D0] =	vst v3  }
0x131: {  	[tilespmem:s6+$0x16950] =	vst v4;
	v3 =	vadd.f32 v63, v8;
	v6 =	vld [tilespmem:s8+$0x84E0]  }
0x132: {  	s15 =	simm.s32 $0x0;
	v4 =	vld [tilespmem:s8+$0x8560]  }
0x133: {  	s22 =	sor.u32 $0x1, s12;
	s9 =	simm.s32 $0x0;
	s23 =	sadd.s32 $0x4, s28;
	[tilespmem:s6+$0x169E0] =	vst v3;
	v3 =	vld [tilespmem:s6+$0xE9F0]  }
.LBB2_5:
0x134: {  	s17 =	smulhi.u32 $0x51EB851F, s23;
	s15 =	sadd.s32 $0x4, s15;
	v7 =	vld [tilespmem:s8+$0x85F0]  }
0x135: {  	p2 =	slt.u32 s15, $0x3C;
	v2 =	vadd.f32 v5, v2;
	v5 =	vld [tilespmem:s6+$0xE870]  }
0x136: {  	s17 =	sshrl.u32 s17, $0x6;
	v1 =	vadd.f32 v6, v1;
	v6 =	vld [tilespmem:s6+$0xE8F0]  }
0x137: {  	s17 =	smul.u32 $0x19000, s17;
	[tilespmem:s6+$0x16860] =	vst v2;
	v0 =	vadd.f32 v4, v0;
	v2 =	vld [tilespmem:s6+$0xE970]  }
0x138: {  	v4 =	vld [tilespmem:s8+$0x8470];
	[tilespmem:s6+$0x168E0] =	vst v1  }
0x139: {  	s9 =	sadd.s32 $0x800, s9;
	s17 =	ssub.s32 s3, s17;
	v1 =	vld [tilespmem:s8+$0x84F0];
	[tilespmem:s6+$0x16960] =	vst v0;
	v0 =	vadd.f32 v7, v3  }
0x13a: {  	s24 =	sshra.s32 s9, $0x2;
	s17 =	sshra.s32 s17, $0x2;
	v3 =	vld [tilespmem:s8+$0x8570]  }
0x13b: {  	s8 =	sadd.s32 s17, s24;
	v7 =	vld [tilespmem:s24+$0xE980];
	[tilespmem:s6+$0x169F0] =	vst v0  }
0x13c: {  	v0 =	vld [tilespmem:s8+$0x8580]  }
0x13d: {  	v8 =	vld [tilespmem:s8+$0x8400];
	v4 =	vadd.f32 v4, v5  }
0x13e: {  	v5 =	vld [tilespmem:s8+$0x8480];
	v1 =	vadd.f32 v1, v6  }
0x13f: {  	v6 =	vld [tilespmem:s8+$0x8500];
	[tilespmem:s6+$0x16870] =	vst v4;
	v2 =	vadd.f32 v3, v2  }
0x140: {  	v3 =	vld [tilespmem:s24+$0xE800];
	[tilespmem:s6+$0x168F0] =	vst v1  }
0x141: {  	v1 =	vld [tilespmem:s24+$0xE880];
	v0 =	vadd.f32 v0, v7;
	[tilespmem:s6+$0x16970] =	vst v2;
	s6 =	smov.u32 s24  }
0x142: {  	v2 =	vld [tilespmem:s6+$0xE900]  }
0x143: {  	[tilespmem:s6+$0x16980] =	vst v0;
	v0 =	vld [tilespmem:s6+$0xE990]  }
0x144: {  	v4 =	vld [tilespmem:s8+$0x8590]  }
0x145: {  	v3 =	vadd.f32 v8, v3;
	v7 =	vld [tilespmem:s6+$0xE810]  }
0x146: {  	v1 =	vadd.f32 v5, v1;
	v5 =	vld [tilespmem:s6+$0xE890]  }
0x147: {  	[tilespmem:s6+$0x16800] =	vst v3;
	v2 =	vadd.f32 v6, v2;
	v3 =	vld [tilespmem:s6+$0xE910]  }
0x148: {  	v6 =	vld [tilespmem:s8+$0x8410];
	[tilespmem:s6+$0x16880] =	vst v1  }
0x149: {  	v1 =	vld [tilespmem:s8+$0x8490];
	[tilespmem:s6+$0x16900] =	vst v2;
	v0 =	vadd.f32 v4, v0  }
0x14a: {  	v2 =	vld [tilespmem:s8+$0x8510]  }
0x14b: {  	[tilespmem:s6+$0x16990] =	vst v0;
	v0 =	vld [tilespmem:s6+$0xE9A0]  }
0x14c: {  	v4 =	vld [tilespmem:s8+$0x85A0]  }
0x14d: {  	v6 =	vadd.f32 v6, v7;
	v7 =	vld [tilespmem:s6+$0xE820]  }
0x14e: {  	v1 =	vadd.f32 v1, v5;
	v5 =	vld [tilespmem:s6+$0xE8A0]  }
0x14f: {  	[tilespmem:s6+$0x16810] =	vst v6;
	v2 =	vadd.f32 v2, v3;
	v3 =	vld [tilespmem:s6+$0xE920]  }
0x150: {  	v6 =	vld [tilespmem:s8+$0x8420];
	[tilespmem:s6+$0x16890] =	vst v1  }
0x151: {  	v1 =	vld [tilespmem:s8+$0x84A0];
	[tilespmem:s6+$0x16910] =	vst v2;
	v0 =	vadd.f32 v4, v0  }
0x152: {  	v2 =	vld [tilespmem:s8+$0x8520]  }
0x153: {  	[tilespmem:s6+$0x169A0] =	vst v0;
	v0 =	vld [tilespmem:s6+$0xE9B0]  }
0x154: {  	v4 =	vld [tilespmem:s8+$0x85B0]  }
0x155: {  	v6 =	vadd.f32 v6, v7;
	v7 =	vld [tilespmem:s6+$0xE830]  }
0x156: {  	v1 =	vadd.f32 v1, v5;
	v5 =	vld [tilespmem:s6+$0xE8B0]  }
0x157: {  	[tilespmem:s6+$0x16820] =	vst v6;
	v2 =	vadd.f32 v2, v3;
	v3 =	vld [tilespmem:s6+$0xE930]  }
0x158: {  	v6 =	vld [tilespmem:s8+$0x8430];
	[tilespmem:s6+$0x168A0] =	vst v1  }
0x159: {  	v1 =	vld [tilespmem:s8+$0x84B0];
	[tilespmem:s6+$0x16920] =	vst v2;
	v0 =	vadd.f32 v4, v0  }
0x15a: {  	v2 =	vld [tilespmem:s8+$0x8530]  }
0x15b: {  	[tilespmem:s6+$0x169B0] =	vst v0;
	v0 =	vld [tilespmem:s6+$0xE9C0]  }
0x15c: {  	v4 =	vld [tilespmem:s8+$0x85C0]  }
0x15d: {  	v6 =	vadd.f32 v6, v7;
	v7 =	vld [tilespmem:s6+$0xE840]  }
0x15e: {  	v1 =	vadd.f32 v1, v5;
	v5 =	vld [tilespmem:s6+$0xE8C0]  }
0x15f: {  	[tilespmem:s6+$0x16830] =	vst v6;
	v2 =	vadd.f32 v2, v3;
	v3 =	vld [tilespmem:s6+$0xE940]  }
0x160: {  	v6 =	vld [tilespmem:s8+$0x8440];
	[tilespmem:s6+$0x168B0] =	vst v1  }
0x161: {  	v1 =	vld [tilespmem:s8+$0x84C0];
	[tilespmem:s6+$0x16930] =	vst v2;
	v0 =	vadd.f32 v4, v0  }
0x162: {  	v2 =	vld [tilespmem:s8+$0x8540]  }
0x163: {  	[tilespmem:s6+$0x169C0] =	vst v0;
	v0 =	vld [tilespmem:s6+$0xE9D0]  }
0x164: {  	v4 =	vld [tilespmem:s8+$0x85D0]  }
0x165: {  	v6 =	vadd.f32 v6, v7;
	v7 =	vld [tilespmem:s6+$0xE850]  }
0x166: {  	v1 =	vadd.f32 v1, v5;
	v5 =	vld [tilespmem:s6+$0xE8D0]  }
0x167: {  	[tilespmem:s6+$0x16840] =	vst v6;
	v2 =	vadd.f32 v2, v3;
	v3 =	vld [tilespmem:s6+$0xE950]  }
0x168: {  	v6 =	vld [tilespmem:s8+$0x8450];
	[tilespmem:s6+$0x168C0] =	vst v1  }
0x169: {  	v1 =	vld [tilespmem:s8+$0x84D0];
	[tilespmem:s6+$0x16940] =	vst v2;
	v0 =	vadd.f32 v4, v0  }
0x16a: {  	v4 =	vld [tilespmem:s8+$0x8550]  }
0x16b: {  	[tilespmem:s6+$0x169D0] =	vst v0;
	v8 =	vld [tilespmem:s6+$0xE9E0]  }
0x16c: {  	v9 =	vld [tilespmem:s8+$0x85E0]  }
0x16d: {  	v0 =	vadd.f32 v6, v7;
	v2 =	vld [tilespmem:s6+$0xE860]  }
0x16e: {  	v6 =	vadd.f32 v1, v5;
	v1 =	vld [tilespmem:s6+$0xE8E0]  }
.Ltmp1:
0x16f: {  	[tilespmem:s6+$0x16850] =	vst v0;
	v3 =	vadd.f32 v4, v3;
	v0 =	vld [tilespmem:s6+$0xE960];
	(pc) =	sbr.rel @p2 .LBB2_5-.Ltmp1, $4  }
0x170: {  	v5 =	vld [tilespmem:s8+$0x8460];
	[tilespmem:s6+$0x168D0] =	vst v6  }
0x171: {  	v6 =	vld [tilespmem:s8+$0x84E0];
	[tilespmem:s6+$0x16950] =	vst v3;
	v3 =	vadd.f32 v9, v8  }
0x172: {  	v4 =	vld [tilespmem:s8+$0x8560]  }
0x173: {  	s23 =	sadd.s32 $0x4, s23;
	[tilespmem:s6+$0x169E0] =	vst v3;
	v3 =	vld [tilespmem:s6+$0xE9F0]  }
0x174: {  	v7 =	vld [tilespmem:s8+$0x85F0]  }
0x175: {  	v2 =	vadd.f32 v5, v2;
	v5 =	vld [tilespmem:s6+$0xE870]  }
0x176: {  	v1 =	vadd.f32 v6, v1;
	v6 =	vld [tilespmem:s6+$0xE8F0]  }
0x177: {  	[tilespmem:s6+$0x16860] =	vst v2;
	v0 =	vadd.f32 v4, v0;
	v2 =	vld [tilespmem:s6+$0xE970]  }
0x178: {  	v4 =	vld [tilespmem:s8+$0x8470];
	[tilespmem:s6+$0x168E0] =	vst v1  }
0x179: {  	v1 =	vld [tilespmem:s8+$0x84F0];
	[tilespmem:s6+$0x16960] =	vst v0  }
0x17a: {  	v0 =	vld [tilespmem:s8+$0x8570];
	_ =	sdelay $0x1  }
0x17b: {  	v3 =	vadd.f32 v7, v3  }
0x17c: {  	v4 =	vadd.f32 v4, v5  }
0x17d: {  	[tilespmem:s6+$0x169F0] =	vst v3;
	v1 =	vadd.f32 v1, v6  }
0x17e: {  	[tilespmem:s6+$0x16870] =	vst v4;
	v0 =	vadd.f32 v0, v2  }
0x17f: {  	s9 =	simm.s32 @!p1 $0xE800;
	[tilespmem:s6+$0x168F0] =	vst v1  }
0x180: {  	s22 =	sshll.u32 s22, $0xD;
	s8 =	simm.s32 @!p1 $0x40;
	[tilespmem:s6+$0x16970] =	vst v0;
	s6 =	sadd.s32 @!p1 $0x140, s13  }
0x181: {  	[tilespmem:s9], [sflag:$0x2] =	stream.indirect.gather @!p1 [hbm4b:s1+s8], $0x80, s6, s8, $0xb8;
	[tilespmem:$0x1C800] =	vst v63  }
0x182: {  	s6 =	sadd.s32 s7, s22  }
0x183: {  	s6 =	sshrl.u32 s6, $0x3  }
0x184: {  	s23 =	simm.s32 $0x16800;
	s6 =	sadd.s32 s4, s6  }
0x185: {  	[hbm4b:s6+s5] =	stream.linear.scatter [tilespmem:s23], [sflag:$0x6], $0x2000, $0x38;
	[tilespmem:$0x1C800] =	vst v63  }
0x186: {  	s24 =	smulhi.u32 $0x51EB851F, s29;
	_ =	swait.ge [sflag:s18], $0x2000  }
0x187: {  	[sflag:s18] =	ssyncset.done $0x0  }
0x188: {  	s8 =	simm.s32 @!p0 $0x7;
	s6 =	sshrl.u32 s24, $0x6;
	[sflag:s18] =	ssyncadd.s32 $0xFFFFE000  }
0x189: {  	s6 =	smul.u32 $0xFFFE7000, s6;
	_ =	swait.ge @!p0 [sflag:s8], $0x2000  }
0x18a: {  	[sflag:s8] =	ssyncset.done @!p0 $0x0  }
0x18b: {  	s15 =	simm.s32 $0x10900;
	s6 =	sshra.s32 s6, $0x2;
	[sflag:s8] =	ssyncadd.s32 @!p0 $0xFFFFE000  }
0x18c: {  	s25 =	sadd.s32 s6, s0;
	v0 =	vld [tilespmem:s15+$0x80]  }
0x18d: {  	v1 =	vld [tilespmem:s25+$0xFFFFFF90];
	_ =	sdelay $0x2  }
0x18e: {  	v2 =	vld [tilespmem:s25+$0xFFFFFE10]  }
0x18f: {  	v3 =	vld [tilespmem:s15+$0xFFFFFF00]  }
0x190: {  	v4 =	vld [tilespmem:s25+$0xFFFFFE90];
	v0 =	vadd.f32 v1, v0  }
0x191: {  	s6 =	simm.s32 $0x18900;
	v1 =	vld [tilespmem:s15+$0xFFFFFF80]  }
0x192: {  	[tilespmem:s6+$0x80] =	vst v0  }
0x193: {  	v0 =	vld [tilespmem:s15+$0x90]  }
0x194: {  	v2 =	vadd.f32 v2, v3;
	v3 =	vld [tilespmem:s25+$0xFFFFFFA0]  }
0x195: {  	v5 =	vld [tilespmem:s25+$0xFFFFFF10]  }
0x196: {  	v6 =	vld [tilespmem:s15+$0x0];
	[tilespmem:s6+$0xFFFFFF00] =	vst v2;
	v1 =	vadd.f32 v4, v1  }
0x197: {  	v2 =	vld [tilespmem:s15+$0xFFFFFF10]  }
0x198: {  	[tilespmem:s6+$0xFFFFFF80] =	vst v1;
	v1 =	vld [tilespmem:s25+$0xFFFFFE20]  }
0x199: {  	v4 =	vld [tilespmem:s15+$0xFFFFFF90];
	v0 =	vadd.f32 v3, v0  }
0x19a: {  	v3 =	vld [tilespmem:s25+$0xFFFFFEA0]  }
0x19b: {  	v5 =	vadd.f32 v5, v6;
	[tilespmem:s6+$0x90] =	vst v0  }
0x19c: {  	v0 =	vld [tilespmem:s15+$0xA0]  }
0x19d: {  	[tilespmem:s6+$0x0] =	vst v5;
	v1 =	vadd.f32 v1, v2;
	v2 =	vld [tilespmem:s25+$0xFFFFFFB0]  }
0x19e: {  	v5 =	vld [tilespmem:s15+$0x10]  }
0x19f: {  	v6 =	vld [tilespmem:s25+$0xFFFFFF20];
	[tilespmem:s6+$0xFFFFFF10] =	vst v1;
	v1 =	vadd.f32 v3, v4  }
0x1a0: {  	v3 =	vld [tilespmem:s15+$0xFFFFFF20]  }
0x1a1: {  	v4 =	vld [tilespmem:s25+$0xFFFFFE30];
	[tilespmem:s6+$0xFFFFFF90] =	vst v1  }
0x1a2: {  	v1 =	vld [tilespmem:s15+$0xFFFFFFA0];
	v0 =	vadd.f32 v2, v0  }
0x1a3: {  	v2 =	vld [tilespmem:s25+$0xFFFFFEB0]  }
0x1a4: {  	v5 =	vadd.f32 v6, v5;
	[tilespmem:s6+$0xA0] =	vst v0  }
0x1a5: {  	v0 =	vld [tilespmem:s15+$0xB0]  }
0x1a6: {  	[tilespmem:s6+$0x10] =	vst v5;
	v3 =	vadd.f32 v4, v3;
	v4 =	vld [tilespmem:s25+$0xFFFFFFC0]  }
0x1a7: {  	v5 =	vld [tilespmem:s15+$0x20]  }
0x1a8: {  	[tilespmem:s6+$0xFFFFFF20] =	vst v3;
	v1 =	vadd.f32 v2, v1;
	v2 =	vld [tilespmem:s25+$0xFFFFFF30]  }
0x1a9: {  	v3 =	vld [tilespmem:s15+$0xFFFFFF30]  }
0x1aa: {  	v6 =	vld [tilespmem:s25+$0xFFFFFE40];
	[tilespmem:s6+$0xFFFFFFA0] =	vst v1  }
0x1ab: {  	v1 =	vld [tilespmem:s15+$0xFFFFFFB0];
	v0 =	vadd.f32 v4, v0  }
0x1ac: {  	s23 =	simm.s32 $0x10B00;
	v4 =	vld [tilespmem:s25+$0xFFFFFEC0]  }
0x1ad: {  	v7 =	vld [tilespmem:s23+$0x80];
	v2 =	vadd.f32 v2, v5;
	[tilespmem:s6+$0xB0] =	vst v0  }
0x1ae: {  	v0 =	vld [tilespmem:s15+$0xC0]  }
0x1af: {  	v3 =	vadd.f32 v6, v3;
	[tilespmem:s6+$0x20] =	vst v2;
	v2 =	vld [tilespmem:s25+$0xFFFFFFD0]  }
0x1b0: {  	v5 =	vld [tilespmem:s15+$0x30]  }
0x1b1: {  	[tilespmem:s6+$0xFFFFFF30] =	vst v3;
	v1 =	vadd.f32 v4, v1;
	v3 =	vld [tilespmem:s25+$0xFFFFFF40]  }
0x1b2: {  	v4 =	vld [tilespmem:s15+$0xFFFFFF40]  }
0x1b3: {  	s17 =	sadd.s32 $0x4, s29;
	v6 =	vld [tilespmem:s25+$0xFFFFFE50];
	[tilespmem:s6+$0xFFFFFFB0] =	vst v1  }
0x1b4: {  	s26 =	smulhi.u32 $0x51EB851F, s17;
	v1 =	vld [tilespmem:s15+$0xFFFFFFC0];
	v0 =	vadd.f32 v2, v0  }
0x1b5: {  	v2 =	vld [tilespmem:s25+$0xFFFFFED0]  }
0x1b6: {  	s8 =	sshrl.u32 s26, $0x6;
	v13 =	vld [tilespmem:s23+$0xFFFFFF80];
	v3 =	vadd.f32 v3, v5;
	[tilespmem:s6+$0xC0] =	vst v0  }
0x1b7: {  	s8 =	smul.u32 $0xFFFE7000, s8;
	v0 =	vld [tilespmem:s15+$0xD0]  }
0x1b8: {  	[tilespmem:s6+$0x30] =	vst v3;
	v3 =	vld [tilespmem:s25+$0xFFFFFFE0]  }
0x1b9: {  	s24 =	sadd.s32 $0x200, s0;
	s8 =	sshra.s32 s8, $0x2;
	v4 =	vadd.f32 v6, v4;
	v5 =	vld [tilespmem:s15+$0x40]  }
0x1ba: {  	s8 =	sadd.s32 s8, s24;
	v1 =	vadd.f32 v2, v1;
	v2 =	vld [tilespmem:s25+$0xFFFFFF50]  }
0x1bb: {  	v11 =	vld [tilespmem:s8+$0xFFFFFE90];
	[tilespmem:s6+$0xFFFFFF40] =	vst v4  }
0x1bc: {  	v4 =	vld [tilespmem:s15+$0xFFFFFF50]  }
0x1bd: {  	v6 =	vld [tilespmem:s25+$0xFFFFFE60];
	[tilespmem:s6+$0xFFFFFFC0] =	vst v1;
	v0 =	vadd.f32 v3, v0  }
0x1be: {  	v1 =	vld [tilespmem:s15+$0xFFFFFFD0]  }
0x1bf: {  	v3 =	vld [tilespmem:s25+$0xFFFFFEE0];
	v2 =	vadd.f32 v2, v5;
	[tilespmem:s6+$0xD0] =	vst v0  }
0x1c0: {  	v0 =	vld [tilespmem:s15+$0xE0]  }
0x1c1: {  	v44 =	vadd.f32 v11, v13;
	[tilespmem:s6+$0x40] =	vst v2;
	v2 =	vld [tilespmem:s25+$0xFFFFFFF0]  }
0x1c2: {  	s22 =	simm.s32 $0x18B00;
	v10 =	vld [tilespmem:s8+$0xFFFFFE10]  }
0x1c3: {  	v12 =	vld [tilespmem:s8+$0xFFFFFF10];
	[tilespmem:s22+$0xFFFFFF80] =	vst v44  }
0x1c4: {  	v47 =	vld [tilespmem:s23+$0xFFFFFF90];
	v4 =	vadd.f32 v6, v4  }
0x1c5: {  	v5 =	vld [tilespmem:s15+$0x50]  }
0x1c6: {  	[tilespmem:s6+$0xFFFFFF50] =	vst v4;
	v1 =	vadd.f32 v3, v1;
	v3 =	vld [tilespmem:s25+$0xFFFFFF60];
	v0 =	vadd.f32 v2, v0  }
0x1c7: {  	v4 =	vld [tilespmem:s15+$0xFFFFFF60]  }
0x1c8: {  	[tilespmem:s6+$0xE0] =	vst v0;
	v0 =	vld [tilespmem:s8+$0xFFFFFF90]  }
0x1c9: {  	v6 =	vld [tilespmem:s25+$0xFFFFFE70];
	[tilespmem:s6+$0xFFFFFFD0] =	vst v1  }
0x1ca: {  	v1 =	vld [tilespmem:s15+$0xFFFFFFE0]  }
0x1cb: {  	v2 =	vld [tilespmem:s25+$0xFFFFFEF0]  }
0x1cc: {  	v3 =	vadd.f32 v3, v5;
	v5 =	vld [tilespmem:s23+$0xFFFFFF00]  }
0x1cd: {  	v8 =	vld [tilespmem:s15+$0xF0];
	v0 =	vadd.f32 v0, v7  }
0x1ce: {  	v9 =	vld [tilespmem:s25+$0x0];
	[tilespmem:s6+$0x50] =	vst v3  }
0x1cf: {  	v3 =	vld [tilespmem:s23+$0x0];
	[tilespmem:s22+$0x80] =	vst v0  }
0x1d0: {  	v4 =	vadd.f32 v6, v4;
	v6 =	vld [tilespmem:s23+$0x90]  }
0x1d1: {  	v5 =	vadd.f32 v10, v5;
	v7 =	vld [tilespmem:s8+$0xFFFFFFA0]  }
0x1d2: {  	[tilespmem:s6+$0xFFFFFF60] =	vst v4;
	v4 =	vld [tilespmem:s25+$0xFFFFFF70]  }
0x1d3: {  	v50 =	vld [tilespmem:s25+$0xFFFFFE80];
	[tilespmem:s22+$0xFFFFFF00] =	vst v5  }
0x1d4: {  	v45 =	vld [tilespmem:s23+$0xFFFFFF10]  }
0x1d5: {  	v3 =	vadd.f32 v12, v3;
	v46 =	vld [tilespmem:s8+$0xFFFFFE20]  }
0x1d6: {  	v5 =	vld [tilespmem:s15+$0xFFFFFF70];
	v6 =	vadd.f32 v7, v6  }
0x1d7: {  	[tilespmem:s22+$0x0] =	vst v3;
	v3 =	vld [tilespmem:s8+$0xFFFFFEA0]  }
0x1d8: {  	v0 =	vld [tilespmem:s15+$0x60];
	[tilespmem:s22+$0x90] =	vst v6  }
0x1d9: {  	v6 =	vld [tilespmem:s23+$0xA0]  }
0x1da: {  	v10 =	vadd.f32 v46, v45;
	v48 =	vld [tilespmem:s8+$0xFFFFFFB0]  }
0x1db: {  	v49 =	vld [tilespmem:s8+$0xFFFFFF20]  }
0x1dc: {  	v7 =	vld [tilespmem:s23+$0x10];
	v3 =	vadd.f32 v3, v47;
	[tilespmem:s22+$0xFFFFFF10] =	vst v10  }
0x1dd: {  	v1 =	vadd.f32 v2, v1;
	v51 =	vld [tilespmem:s23+$0xFFFFFF20]  }
0x1de: {  	v0 =	vadd.f32 v4, v0;
	v2 =	vld [tilespmem:s8+$0xFFFFFE30];
	[tilespmem:s22+$0xFFFFFF90] =	vst v3  }
0x1df: {  	[tilespmem:s6+$0xFFFFFFE0] =	vst v1;
	v3 =	vld [tilespmem:s23+$0xFFFFFFA0];
	v6 =	vadd.f32 v48, v6  }
0x1e0: {  	[tilespmem:s6+$0x60] =	vst v0;
	v1 =	vld [tilespmem:s8+$0xFFFFFEB0]  }
0x1e1: {  	v0 =	vld [tilespmem:s15+$0x70];
	v7 =	vadd.f32 v49, v7;
	[tilespmem:s22+$0xA0] =	vst v6  }
0x1e2: {  	v52 =	vld [tilespmem:s23+$0xB0]  }
0x1e3: {  	[tilespmem:s22+$0x10] =	vst v7;
	v2 =	vadd.f32 v2, v51;
	v7 =	vld [tilespmem:s8+$0xFFFFFFC0]  }
0x1e4: {  	v53 =	vld [tilespmem:s23+$0x20]  }
0x1e5: {  	v1 =	vadd.f32 v1, v3;
	[tilespmem:s22+$0xFFFFFF20] =	vst v2;
	v2 =	vld [tilespmem:s8+$0xFFFFFF30]  }
0x1e6: {  	v3 =	vld [tilespmem:s23+$0xFFFFFF30]  }
0x1e7: {  	v54 =	vld [tilespmem:s8+$0xFFFFFE40];
	[tilespmem:s22+$0xFFFFFFA0] =	vst v1  }
0x1e8: {  	v1 =	vld [tilespmem:s23+$0xFFFFFFB0];
	v7 =	vadd.f32 v7, v52  }
0x1e9: {  	v55 =	vld [tilespmem:s8+$0xFFFFFEC0]  }
0x1ea: {  	v6 =	vld [tilespmem:s15+$0xFFFFFFF0];
	v2 =	vadd.f32 v2, v53;
	[tilespmem:s22+$0xB0] =	vst v7  }
0x1eb: {  	v56 =	vld [tilespmem:s23+$0xC0]  }
0x1ec: {  	v3 =	vadd.f32 v54, v3;
	[tilespmem:s22+$0x20] =	vst v2;
	v2 =	vld [tilespmem:s8+$0xFFFFFFD0]  }
0x1ed: {  	v57 =	vld [tilespmem:s23+$0x30]  }
0x1ee: {  	v1 =	vadd.f32 v55, v1;
	[tilespmem:s22+$0xFFFFFF30] =	vst v3;
	v3 =	vld [tilespmem:s8+$0xFFFFFF40]  }
0x1ef: {  	v58 =	vld [tilespmem:s23+$0xFFFFFF40]  }
0x1f0: {  	[tilespmem:s22+$0xFFFFFFB0] =	vst v1;
	v1 =	vld [tilespmem:s8+$0xFFFFFE50]  }
0x1f1: {  	v4 =	vld [tilespmem:s23+$0xFFFFFFC0];
	v2 =	vadd.f32 v2, v56  }
0x1f2: {  	v59 =	vld [tilespmem:s8+$0xFFFFFED0]  }
0x1f3: {  	v7 =	vld [tilespmem:s25+$0xFFFFFF00];
	v3 =	vadd.f32 v3, v57;
	[tilespmem:s22+$0xC0] =	vst v2  }
0x1f4: {  	v2 =	vld [tilespmem:s23+$0xD0]  }
0x1f5: {  	v1 =	vadd.f32 v1, v58;
	[tilespmem:s22+$0x30] =	vst v3;
	v3 =	vld [tilespmem:s8+$0xFFFFFFE0]  }
0x1f6: {  	v60 =	vld [tilespmem:s23+$0x40]  }
0x1f7: {  	[tilespmem:s22+$0xFFFFFF40] =	vst v1;
	v1 =	vadd.f32 v59, v4;
	v4 =	vld [tilespmem:s8+$0xFFFFFF50]  }
0x1f8: {  	v61 =	vld [tilespmem:s23+$0xFFFFFF50]  }
0x1f9: {  	v8 =	vadd.f32 v9, v8;
	v62 =	vld [tilespmem:s8+$0xFFFFFE60];
	[tilespmem:s22+$0xFFFFFFC0] =	vst v1  }
0x1fa: {  	v63 =	vld [tilespmem:s23+$0xFFFFFFD0];
	v1 =	vadd.f32 v3, v2  }
0x1fb: {  	[tilespmem:s6+$0xF0] =	vst v8;
	v2 =	vadd.f32 v50, v5;
	v5 =	vld [tilespmem:s8+$0xFFFFFEE0]  }
0x1fc: {  	v3 =	vadd.f32 v4, v60;
	[tilespmem:s22+$0xD0] =	vst v1;
	v1 =	vld [tilespmem:s25+$0xFFFFFF80]  }
0x1fd: {  	v4 =	vadd.f32 v7, v6;
	[tilespmem:s6+$0xFFFFFF70] =	vst v2;
	v2 =	vld [tilespmem:s23+$0xE0]  }
0x1fe: {  	v6 =	vadd.f32 v62, v61;
	[tilespmem:s22+$0x40] =	vst v3;
	v3 =	vld [tilespmem:s8+$0xFFFFFFF0]  }
0x1ff: {  	s9 =	simm.s32 $0x10B00;
	[tilespmem:s6+$0xFFFFFFF0] =	vst v4;
	v4 =	vld [tilespmem:s23+$0x50]  }
0x200: {  	s26 =	simm.s32 $0x4;
	s15 =	sadd.s32 $0x4, s17;
	s25 =	sor.u32 $0x2, s12;
	[tilespmem:s22+$0xFFFFFF50] =	vst v6;
	v6 =	vadd.f32 v5, v63;
	v5 =	vld [tilespmem:s8+$0xFFFFFF60]  }
.LBB2_7:
0x201: {  	s17 =	smulhi.u32 $0x51EB851F, s15;
	v7 =	vld [tilespmem:s23+$0xFFFFFF60];
	v0 =	vadd.f32 v1, v0  }
0x202: {  	v1 =	vld [tilespmem:s8+$0xFFFFFE70];
	[tilespmem:s22+$0xFFFFFFD0] =	vst v6  }
0x203: {  	s17 =	sshrl.u32 s17, $0x6;
	v6 =	vld [tilespmem:s23+$0xFFFFFFE0];
	v2 =	vadd.f32 v3, v2;
	[tilespmem:s6+$0x70] =	vst v0;
	s6 =	smov.u32 s22  }
0x204: {  	s23 =	sadd.s32 $0x200, s23;
	s17 =	smul.u32 $0xFFFE7000, s17;
	v0 =	vld [tilespmem:s8+$0xFFFFFEF0]  }
0x205: {  	v3 =	vld [tilespmem:s23+$0x80];
	v4 =	vadd.f32 v5, v4;
	[tilespmem:s22+$0xE0] =	vst v2  }
0x206: {  	s24 =	sadd.s32 $0x200, s24;
	s17 =	sshra.s32 s17, $0x2;
	v2 =	vld [tilespmem:s9+$0xF0]  }
0x207: {  	s17 =	sadd.s32 s17, s24;
	v1 =	vadd.f32 v1, v7;
	[tilespmem:s22+$0x50] =	vst v4;
	v4 =	vld [tilespmem:s8+$0x0]  }
0x208: {  	s26 =	sadd.s32 $0x4, s26;
	v5 =	vld [tilespmem:s17+$0xFFFFFF90]  }
0x209: {  	p2 =	slt.u32 s26, $0x3C;
	v7 =	vld [tilespmem:s17+$0xFFFFFE10];
	[tilespmem:s22+$0xFFFFFF60] =	vst v1;
	v0 =	vadd.f32 v0, v6  }
0x20a: {  	v1 =	vld [tilespmem:s17+$0xFFFFFE90]  }
0x20b: {  	v6 =	vld [tilespmem:s17+$0xFFFFFF10];
	[tilespmem:s22+$0xFFFFFFE0] =	vst v0  }
0x20c: {  	v0 =	vld [tilespmem:s23+$0xFFFFFF00];
	v2 =	vadd.f32 v4, v2  }
0x20d: {  	v4 =	vld [tilespmem:s23+$0xFFFFFF80];
	v3 =	vadd.f32 v5, v3  }
0x20e: {  	s22 =	sadd.s32 $0x200, s22;
	v5 =	vld [tilespmem:s23+$0x0];
	[tilespmem:s6+$0xF0] =	vst v2  }
0x20f: {  	[tilespmem:s22+$0x80] =	vst v3;
	v2 =	vld [tilespmem:s9+$0x60]  }
0x210: {  	v3 =	vld [tilespmem:s23+$0x90]  }
0x211: {  	v0 =	vadd.f32 v7, v0;
	v7 =	vld [tilespmem:s17+$0xFFFFFFA0]  }
0x212: {  	v1 =	vadd.f32 v1, v4;
	v4 =	vld [tilespmem:s8+$0xFFFFFF70]  }
0x213: {  	[tilespmem:s22+$0xFFFFFF00] =	vst v0;
	v0 =	vadd.f32 v6, v5;
	v5 =	vld [tilespmem:s9+$0xFFFFFF70]  }
0x214: {  	v6 =	vld [tilespmem:s23+$0xFFFFFF10];
	[tilespmem:s22+$0xFFFFFF80] =	vst v1  }
0x215: {  	v1 =	vld [tilespmem:s17+$0xFFFFFE20];
	[tilespmem:s22+$0x0] =	vst v0  }
0x216: {  	v0 =	vld [tilespmem:s23+$0xFFFFFF90];
	v3 =	vadd.f32 v7, v3  }
0x217: {  	v7 =	vld [tilespmem:s17+$0xFFFFFEA0];
	v2 =	vadd.f32 v4, v2  }
0x218: {  	v4 =	vld [tilespmem:s23+$0x10];
	[tilespmem:s22+$0x90] =	vst v3  }
0x219: {  	v3 =	vld [tilespmem:s23+$0xA0];
	[tilespmem:s6+$0x60] =	vst v2  }
0x21a: {  	v1 =	vadd.f32 v1, v6;
	v2 =	vld [tilespmem:s17+$0xFFFFFFB0]  }
0x21b: {  	v6 =	vld [tilespmem:s17+$0xFFFFFF20]  }
0x21c: {  	[tilespmem:s22+$0xFFFFFF10] =	vst v1;
	v0 =	vadd.f32 v7, v0;
	v1 =	vld [tilespmem:s8+$0xFFFFFE80]  }
0x21d: {  	v7 =	vld [tilespmem:s23+$0xFFFFFF20]  }
0x21e: {  	v8 =	vld [tilespmem:s17+$0xFFFFFE30];
	[tilespmem:s22+$0xFFFFFF90] =	vst v0  }
0x21f: {  	v0 =	vld [tilespmem:s23+$0xFFFFFFA0];
	v2 =	vadd.f32 v2, v3  }
0x220: {  	v3 =	vld [tilespmem:s17+$0xFFFFFEB0];
	v4 =	vadd.f32 v6, v4  }
0x221: {  	[tilespmem:s22+$0xA0] =	vst v2;
	v1 =	vadd.f32 v1, v5;
	v2 =	vld [tilespmem:s9+$0xFFFFFFF0]  }
0x222: {  	[tilespmem:s22+$0x10] =	vst v4;
	v4 =	vld [tilespmem:s23+$0xB0]  }
0x223: {  	v5 =	vadd.f32 v8, v7;
	v6 =	vld [tilespmem:s17+$0xFFFFFFC0];
	[tilespmem:s6+$0xFFFFFF70] =	vst v1  }
0x224: {  	v1 =	vld [tilespmem:s23+$0x20]  }
0x225: {  	[tilespmem:s22+$0xFFFFFF20] =	vst v5;
	v0 =	vadd.f32 v3, v0;
	v3 =	vld [tilespmem:s17+$0xFFFFFF30]  }
0x226: {  	v5 =	vld [tilespmem:s23+$0xFFFFFF30]  }
0x227: {  	v7 =	vld [tilespmem:s17+$0xFFFFFE40];
	[tilespmem:s22+$0xFFFFFFA0] =	vst v0  }
0x228: {  	v0 =	vld [tilespmem:s23+$0xFFFFFFB0];
	v4 =	vadd.f32 v6, v4  }
0x229: {  	v6 =	vld [tilespmem:s17+$0xFFFFFEC0]  }
0x22a: {  	v1 =	vadd.f32 v3, v1;
	[tilespmem:s22+$0xB0] =	vst v4;
	v3 =	vld [tilespmem:s8+$0xFFFFFF00]  }
0x22b: {  	v4 =	vld [tilespmem:s23+$0xC0]  }
0x22c: {  	v5 =	vadd.f32 v7, v5;
	[tilespmem:s22+$0x20] =	vst v1;
	v1 =	vld [tilespmem:s17+$0xFFFFFFD0]  }
0x22d: {  	v7 =	vld [tilespmem:s23+$0x30]  }
0x22e: {  	[tilespmem:s22+$0xFFFFFF30] =	vst v5;
	v0 =	vadd.f32 v6, v0;
	v5 =	vld [tilespmem:s17+$0xFFFFFF40]  }
0x22f: {  	v6 =	vld [tilespmem:s23+$0xFFFFFF40];
	v2 =	vadd.f32 v3, v2  }
0x230: {  	v3 =	vld [tilespmem:s17+$0xFFFFFE50];
	[tilespmem:s22+$0xFFFFFFB0] =	vst v0  }
0x231: {  	v8 =	vld [tilespmem:s23+$0xFFFFFFC0];
	v0 =	vadd.f32 v1, v4;
	[tilespmem:s6+$0xFFFFFFF0] =	vst v2  }
0x232: {  	v1 =	vld [tilespmem:s17+$0xFFFFFED0]  }
0x233: {  	v2 =	vadd.f32 v5, v7;
	[tilespmem:s22+$0xC0] =	vst v0;
	v0 =	vld [tilespmem:s9+$0x70];
	s9 =	smov.u32 s23  }
0x234: {  	v4 =	vld [tilespmem:s23+$0xD0]  }
0x235: {  	v3 =	vadd.f32 v3, v6;
	[tilespmem:s22+$0x30] =	vst v2;
	v2 =	vld [tilespmem:s17+$0xFFFFFFE0]  }
0x236: {  	v5 =	vld [tilespmem:s23+$0x40]  }
0x237: {  	[tilespmem:s22+$0xFFFFFF40] =	vst v3;
	v1 =	vadd.f32 v1, v8;
	v3 =	vld [tilespmem:s17+$0xFFFFFF50]  }
0x238: {  	v6 =	vld [tilespmem:s23+$0xFFFFFF50]  }
0x239: {  	v7 =	vld [tilespmem:s17+$0xFFFFFE60];
	[tilespmem:s22+$0xFFFFFFC0] =	vst v1  }
0x23a: {  	v8 =	vld [tilespmem:s23+$0xFFFFFFD0];
	v1 =	vadd.f32 v2, v4  }
0x23b: {  	v9 =	vld [tilespmem:s17+$0xFFFFFEE0]  }
.Ltmp2:
0x23c: {  	v3 =	vadd.f32 v3, v5;
	[tilespmem:s22+$0xD0] =	vst v1;
	v1 =	vld [tilespmem:s8+$0xFFFFFF80];
	s8 =	smov.u32 s17;
	(pc) =	sbr.rel @p2 .LBB2_7-.Ltmp2, $4  }
0x23d: {  	v2 =	vld [tilespmem:s23+$0xE0]  }
0x23e: {  	v5 =	vadd.f32 v7, v6;
	[tilespmem:s22+$0x40] =	vst v3;
	v3 =	vld [tilespmem:s8+$0xFFFFFFF0]  }
0x23f: {  	v4 =	vld [tilespmem:s23+$0x50]  }
0x240: {  	s15 =	sadd.s32 $0x4, s15;
	[tilespmem:s22+$0xFFFFFF50] =	vst v5;
	v6 =	vadd.f32 v9, v8;
	v5 =	vld [tilespmem:s8+$0xFFFFFF60]  }
0x241: {  	_ =	sdelay $0x2  }
0x242: {  	v7 =	vld [tilespmem:s23+$0xFFFFFF60]  }
0x243: {  	v8 =	vld [tilespmem:s8+$0xFFFFFE70];
	[tilespmem:s22+$0xFFFFFFD0] =	vst v6;
	v4 =	vadd.f32 v5, v4  }
0x244: {  	v6 =	vld [tilespmem:s8+$0xFFFFFEF0]  }
0x245: {  	v5 =	vld [tilespmem:s23+$0xFFFFFFE0];
	[tilespmem:s22+$0x50] =	vst v4  }
0x246: {  	v2 =	vadd.f32 v3, v2;
	v3 =	vld [tilespmem:s9+$0x60]  }
0x247: {  	v4 =	vld [tilespmem:s8+$0xFFFFFF70]  }
0x248: {  	[tilespmem:s22+$0xE0] =	vst v2;
	v2 =	vadd.f32 v8, v7  }
0x249: {  	v7 =	vld [tilespmem:s9+$0xF0]  }
0x24a: {  	v8 =	vld [tilespmem:s8+$0x0];
	[tilespmem:s22+$0xFFFFFF60] =	vst v2;
	v2 =	vadd.f32 v6, v5  }
0x24b: {  	v5 =	vld [tilespmem:s9+$0xFFFFFF70]  }
0x24c: {  	[tilespmem:s22+$0xFFFFFFE0] =	vst v2;
	v2 =	vadd.f32 v4, v3;
	v3 =	vld [tilespmem:s8+$0xFFFFFE80]  }
0x24d: {  	v4 =	vld [tilespmem:s9+$0xFFFFFFF0]  }
0x24e: {  	[tilespmem:s22+$0x60] =	vst v2;
	v2 =	vld [tilespmem:s8+$0xFFFFFF00]  }
0x24f: {  	v6 =	vld [tilespmem:s9+$0x70]  }
0x250: {  	v9 =	vld [tilespmem:s8+$0xFFFFFF80]  }
0x251: {  	v0 =	vadd.f32 v1, v0  }
0x252: {  	v1 =	vadd.f32 v8, v7  }
0x253: {  	[tilespmem:s6+$0x70] =	vst v0;
	v0 =	vadd.f32 v3, v5  }
0x254: {  	[tilespmem:s22+$0xF0] =	vst v1;
	v1 =	vadd.f32 v2, v4  }
0x255: {  	[tilespmem:s22+$0xFFFFFF70] =	vst v0;
	v0 =	vadd.f32 v9, v6  }
0x256: {  	s6 =	sadd.s32 @!p1 $0x180, s13;
	[tilespmem:s22+$0xFFFFFFF0] =	vst v1  }
0x257: {  	s23 =	sshll.u32 s25, $0xD;
	s8 =	simm.s32 @!p1 $0x40;
	s9 =	simm.s32 @!p1 $0x10800;
	[tilespmem:s22+$0x70] =	vst v0  }
0x258: {  	[tilespmem:s9], [sflag:$0x3] =	stream.indirect.gather @!p1 [hbm4b:s1+s8], $0x80, s6, s8, $0xb8;
	[tilespmem:$0x1C800] =	vst v63  }
0x259: {  	s6 =	sadd.s32 s7, s23  }
0x25a: {  	s6 =	sshrl.u32 s6, $0x3  }
0x25b: {  	s6 =	sadd.s32 s4, s6  }
0x25c: {  	[hbm4b:s6+s5] =	stream.linear.scatter [tilespmem:s19], [sflag:$0x7], $0x2000, $0x38;
	[tilespmem:$0x1C800] =	vst v63  }
0x25d: {  	s24 =	smulhi.u32 $0x51EB851F, s30;
	_ =	swait.ge [sflag:s20], $0x2000  }
0x25e: {  	[sflag:s20] =	ssyncset.done $0x0  }
0x25f: {  	s8 =	simm.s32 @!p0 $0x8;
	s6 =	sshrl.u32 s24, $0x6;
	[sflag:s20] =	ssyncadd.s32 $0xFFFFE000  }
0x260: {  	s6 =	smul.u32 $0xFFFE7000, s6;
	_ =	swait.ge @!p0 [sflag:s8], $0x2000  }
0x261: {  	[sflag:s8] =	ssyncset.done @!p0 $0x0  }
0x262: {  	s15 =	simm.s32 $0x12900;
	s6 =	sshra.s32 s6, $0x2;
	[sflag:s8] =	ssyncadd.s32 @!p0 $0xFFFFE000  }
0x263: {  	s25 =	sadd.s32 s6, s2;
	v0 =	vld [tilespmem:s15+$0x80]  }
0x264: {  	v1 =	vld [tilespmem:s25+$0xFFFFFF90];
	_ =	sdelay $0x2  }
0x265: {  	v2 =	vld [tilespmem:s25+$0xFFFFFE10]  }
0x266: {  	v3 =	vld [tilespmem:s15+$0xFFFFFF00]  }
0x267: {  	v4 =	vld [tilespmem:s25+$0xFFFFFE90];
	v0 =	vadd.f32 v1, v0  }
0x268: {  	s6 =	simm.s32 $0x1A900;
	v1 =	vld [tilespmem:s15+$0xFFFFFF80]  }
0x269: {  	[tilespmem:s6+$0x80] =	vst v0  }
0x26a: {  	v0 =	vld [tilespmem:s15+$0x90]  }
0x26b: {  	v2 =	vadd.f32 v2, v3;
	v3 =	vld [tilespmem:s25+$0xFFFFFFA0]  }
0x26c: {  	v5 =	vld [tilespmem:s25+$0xFFFFFF10]  }
0x26d: {  	v6 =	vld [tilespmem:s15+$0x0];
	[tilespmem:s6+$0xFFFFFF00] =	vst v2;
	v1 =	vadd.f32 v4, v1  }
0x26e: {  	v2 =	vld [tilespmem:s15+$0xFFFFFF10]  }
0x26f: {  	[tilespmem:s6+$0xFFFFFF80] =	vst v1;
	v1 =	vld [tilespmem:s25+$0xFFFFFE20]  }
0x270: {  	v4 =	vld [tilespmem:s15+$0xFFFFFF90];
	v0 =	vadd.f32 v3, v0  }
0x271: {  	v3 =	vld [tilespmem:s25+$0xFFFFFEA0]  }
0x272: {  	v5 =	vadd.f32 v5, v6;
	[tilespmem:s6+$0x90] =	vst v0  }
0x273: {  	v0 =	vld [tilespmem:s15+$0xA0]  }
0x274: {  	[tilespmem:s6+$0x0] =	vst v5;
	v1 =	vadd.f32 v1, v2;
	v2 =	vld [tilespmem:s25+$0xFFFFFFB0]  }
0x275: {  	v5 =	vld [tilespmem:s15+$0x10]  }
0x276: {  	v6 =	vld [tilespmem:s25+$0xFFFFFF20];
	[tilespmem:s6+$0xFFFFFF10] =	vst v1;
	v1 =	vadd.f32 v3, v4  }
0x277: {  	v3 =	vld [tilespmem:s15+$0xFFFFFF20]  }
0x278: {  	v4 =	vld [tilespmem:s25+$0xFFFFFE30];
	[tilespmem:s6+$0xFFFFFF90] =	vst v1  }
0x279: {  	v1 =	vld [tilespmem:s15+$0xFFFFFFA0];
	v0 =	vadd.f32 v2, v0  }
0x27a: {  	v2 =	vld [tilespmem:s25+$0xFFFFFEB0]  }
0x27b: {  	v5 =	vadd.f32 v6, v5;
	[tilespmem:s6+$0xA0] =	vst v0  }
0x27c: {  	v0 =	vld [tilespmem:s15+$0xB0]  }
0x27d: {  	[tilespmem:s6+$0x10] =	vst v5;
	v3 =	vadd.f32 v4, v3;
	v4 =	vld [tilespmem:s25+$0xFFFFFFC0]  }
0x27e: {  	v5 =	vld [tilespmem:s15+$0x20]  }
0x27f: {  	[tilespmem:s6+$0xFFFFFF20] =	vst v3;
	v1 =	vadd.f32 v2, v1;
	v2 =	vld [tilespmem:s25+$0xFFFFFF30]  }
0x280: {  	v3 =	vld [tilespmem:s15+$0xFFFFFF30]  }
0x281: {  	v6 =	vld [tilespmem:s25+$0xFFFFFE40];
	[tilespmem:s6+$0xFFFFFFA0] =	vst v1  }
0x282: {  	v1 =	vld [tilespmem:s15+$0xFFFFFFB0];
	v0 =	vadd.f32 v4, v0  }
0x283: {  	s23 =	simm.s32 $0x12B00;
	v4 =	vld [tilespmem:s25+$0xFFFFFEC0]  }
0x284: {  	v7 =	vld [tilespmem:s23+$0x80];
	v2 =	vadd.f32 v2, v5;
	[tilespmem:s6+$0xB0] =	vst v0  }
0x285: {  	v0 =	vld [tilespmem:s15+$0xC0]  }
0x286: {  	v3 =	vadd.f32 v6, v3;
	[tilespmem:s6+$0x20] =	vst v2;
	v2 =	vld [tilespmem:s25+$0xFFFFFFD0]  }
0x287: {  	v5 =	vld [tilespmem:s15+$0x30]  }
0x288: {  	[tilespmem:s6+$0xFFFFFF30] =	vst v3;
	v1 =	vadd.f32 v4, v1;
	v3 =	vld [tilespmem:s25+$0xFFFFFF40]  }
0x289: {  	v4 =	vld [tilespmem:s15+$0xFFFFFF40]  }
0x28a: {  	s17 =	sadd.s32 $0x4, s30;
	v6 =	vld [tilespmem:s25+$0xFFFFFE50];
	[tilespmem:s6+$0xFFFFFFB0] =	vst v1  }
0x28b: {  	s26 =	smulhi.u32 $0x51EB851F, s17;
	v1 =	vld [tilespmem:s15+$0xFFFFFFC0];
	v0 =	vadd.f32 v2, v0  }
0x28c: {  	v2 =	vld [tilespmem:s25+$0xFFFFFED0]  }
0x28d: {  	s8 =	sshrl.u32 s26, $0x6;
	v13 =	vld [tilespmem:s23+$0xFFFFFF80];
	v3 =	vadd.f32 v3, v5;
	[tilespmem:s6+$0xC0] =	vst v0  }
0x28e: {  	s8 =	smul.u32 $0xFFFE7000, s8;
	v0 =	vld [tilespmem:s15+$0xD0]  }
0x28f: {  	[tilespmem:s6+$0x30] =	vst v3;
	v3 =	vld [tilespmem:s25+$0xFFFFFFE0]  }
0x290: {  	s24 =	sadd.s32 $0x200, s2;
	s8 =	sshra.s32 s8, $0x2;
	v4 =	vadd.f32 v6, v4;
	v5 =	vld [tilespmem:s15+$0x40]  }
0x291: {  	s8 =	sadd.s32 s8, s24;
	v1 =	vadd.f32 v2, v1;
	v2 =	vld [tilespmem:s25+$0xFFFFFF50]  }
0x292: {  	v11 =	vld [tilespmem:s8+$0xFFFFFE90];
	[tilespmem:s6+$0xFFFFFF40] =	vst v4  }
0x293: {  	v4 =	vld [tilespmem:s15+$0xFFFFFF50]  }
0x294: {  	v6 =	vld [tilespmem:s25+$0xFFFFFE60];
	[tilespmem:s6+$0xFFFFFFC0] =	vst v1;
	v0 =	vadd.f32 v3, v0  }
0x295: {  	v1 =	vld [tilespmem:s15+$0xFFFFFFD0]  }
0x296: {  	v3 =	vld [tilespmem:s25+$0xFFFFFEE0];
	v2 =	vadd.f32 v2, v5;
	[tilespmem:s6+$0xD0] =	vst v0  }
0x297: {  	v0 =	vld [tilespmem:s15+$0xE0]  }
0x298: {  	v44 =	vadd.f32 v11, v13;
	[tilespmem:s6+$0x40] =	vst v2;
	v2 =	vld [tilespmem:s25+$0xFFFFFFF0]  }
0x299: {  	s22 =	simm.s32 $0x1AB00;
	v10 =	vld [tilespmem:s8+$0xFFFFFE10]  }
0x29a: {  	v12 =	vld [tilespmem:s8+$0xFFFFFF10];
	[tilespmem:s22+$0xFFFFFF80] =	vst v44  }
0x29b: {  	v47 =	vld [tilespmem:s23+$0xFFFFFF90];
	v4 =	vadd.f32 v6, v4  }
0x29c: {  	v5 =	vld [tilespmem:s15+$0x50]  }
0x29d: {  	[tilespmem:s6+$0xFFFFFF50] =	vst v4;
	v1 =	vadd.f32 v3, v1;
	v3 =	vld [tilespmem:s25+$0xFFFFFF60];
	v0 =	vadd.f32 v2, v0  }
0x29e: {  	v4 =	vld [tilespmem:s15+$0xFFFFFF60]  }
0x29f: {  	[tilespmem:s6+$0xE0] =	vst v0;
	v0 =	vld [tilespmem:s8+$0xFFFFFF90]  }
0x2a0: {  	v6 =	vld [tilespmem:s25+$0xFFFFFE70];
	[tilespmem:s6+$0xFFFFFFD0] =	vst v1  }
0x2a1: {  	v1 =	vld [tilespmem:s15+$0xFFFFFFE0]  }
0x2a2: {  	v2 =	vld [tilespmem:s25+$0xFFFFFEF0]  }
0x2a3: {  	v3 =	vadd.f32 v3, v5;
	v5 =	vld [tilespmem:s23+$0xFFFFFF00]  }
0x2a4: {  	v8 =	vld [tilespmem:s15+$0xF0];
	v0 =	vadd.f32 v0, v7  }
0x2a5: {  	v43 =	vld [tilespmem:s25+$0x0];
	[tilespmem:s6+$0x50] =	vst v3  }
0x2a6: {  	v3 =	vld [tilespmem:s23+$0x0];
	[tilespmem:s22+$0x80] =	vst v0  }
0x2a7: {  	v4 =	vadd.f32 v6, v4;
	v6 =	vld [tilespmem:s23+$0x90]  }
0x2a8: {  	v5 =	vadd.f32 v10, v5;
	v7 =	vld [tilespmem:s8+$0xFFFFFFA0]  }
0x2a9: {  	[tilespmem:s6+$0xFFFFFF60] =	vst v4;
	v4 =	vld [tilespmem:s25+$0xFFFFFF70]  }
0x2aa: {  	v50 =	vld [tilespmem:s25+$0xFFFFFE80];
	[tilespmem:s22+$0xFFFFFF00] =	vst v5  }
0x2ab: {  	v45 =	vld [tilespmem:s23+$0xFFFFFF10]  }
0x2ac: {  	v3 =	vadd.f32 v12, v3;
	v46 =	vld [tilespmem:s8+$0xFFFFFE20]  }
0x2ad: {  	v5 =	vld [tilespmem:s15+$0xFFFFFF70];
	v6 =	vadd.f32 v7, v6  }
0x2ae: {  	[tilespmem:s22+$0x0] =	vst v3;
	v3 =	vld [tilespmem:s8+$0xFFFFFEA0]  }
0x2af: {  	v0 =	vld [tilespmem:s15+$0x60];
	[tilespmem:s22+$0x90] =	vst v6  }
0x2b0: {  	v6 =	vld [tilespmem:s23+$0xA0]  }
0x2b1: {  	v10 =	vadd.f32 v46, v45;
	v48 =	vld [tilespmem:s8+$0xFFFFFFB0]  }
0x2b2: {  	v49 =	vld [tilespmem:s8+$0xFFFFFF20]  }
0x2b3: {  	v7 =	vld [tilespmem:s23+$0x10];
	v3 =	vadd.f32 v3, v47;
	[tilespmem:s22+$0xFFFFFF10] =	vst v10  }
0x2b4: {  	v1 =	vadd.f32 v2, v1;
	v51 =	vld [tilespmem:s23+$0xFFFFFF20]  }
0x2b5: {  	v0 =	vadd.f32 v4, v0;
	v2 =	vld [tilespmem:s8+$0xFFFFFE30];
	[tilespmem:s22+$0xFFFFFF90] =	vst v3  }
0x2b6: {  	[tilespmem:s6+$0xFFFFFFE0] =	vst v1;
	v3 =	vld [tilespmem:s23+$0xFFFFFFA0];
	v6 =	vadd.f32 v48, v6  }
0x2b7: {  	[tilespmem:s6+$0x60] =	vst v0;
	v1 =	vld [tilespmem:s8+$0xFFFFFEB0]  }
0x2b8: {  	v0 =	vld [tilespmem:s15+$0x70];
	v7 =	vadd.f32 v49, v7;
	[tilespmem:s22+$0xA0] =	vst v6  }
0x2b9: {  	v52 =	vld [tilespmem:s23+$0xB0]  }
0x2ba: {  	[tilespmem:s22+$0x10] =	vst v7;
	v2 =	vadd.f32 v2, v51;
	v7 =	vld [tilespmem:s8+$0xFFFFFFC0]  }
0x2bb: {  	v53 =	vld [tilespmem:s23+$0x20]  }
0x2bc: {  	v1 =	vadd.f32 v1, v3;
	[tilespmem:s22+$0xFFFFFF20] =	vst v2;
	v2 =	vld [tilespmem:s8+$0xFFFFFF30]  }
0x2bd: {  	v3 =	vld [tilespmem:s23+$0xFFFFFF30]  }
0x2be: {  	v54 =	vld [tilespmem:s8+$0xFFFFFE40];
	[tilespmem:s22+$0xFFFFFFA0] =	vst v1  }
0x2bf: {  	v1 =	vld [tilespmem:s23+$0xFFFFFFB0];
	v7 =	vadd.f32 v7, v52  }
0x2c0: {  	v55 =	vld [tilespmem:s8+$0xFFFFFEC0]  }
0x2c1: {  	v6 =	vld [tilespmem:s15+$0xFFFFFFF0];
	v2 =	vadd.f32 v2, v53;
	[tilespmem:s22+$0xB0] =	vst v7  }
0x2c2: {  	v56 =	vld [tilespmem:s23+$0xC0]  }
0x2c3: {  	v3 =	vadd.f32 v54, v3;
	[tilespmem:s22+$0x20] =	vst v2;
	v2 =	vld [tilespmem:s8+$0xFFFFFFD0]  }
0x2c4: {  	v57 =	vld [tilespmem:s23+$0x30]  }
0x2c5: {  	v1 =	vadd.f32 v55, v1;
	[tilespmem:s22+$0xFFFFFF30] =	vst v3;
	v3 =	vld [tilespmem:s8+$0xFFFFFF40]  }
0x2c6: {  	v58 =	vld [tilespmem:s23+$0xFFFFFF40]  }
0x2c7: {  	[tilespmem:s22+$0xFFFFFFB0] =	vst v1;
	v1 =	vld [tilespmem:s8+$0xFFFFFE50]  }
0x2c8: {  	v4 =	vld [tilespmem:s23+$0xFFFFFFC0];
	v2 =	vadd.f32 v2, v56  }
0x2c9: {  	v59 =	vld [tilespmem:s8+$0xFFFFFED0]  }
0x2ca: {  	v7 =	vld [tilespmem:s25+$0xFFFFFF00];
	v3 =	vadd.f32 v3, v57;
	[tilespmem:s22+$0xC0] =	vst v2  }
0x2cb: {  	v2 =	vld [tilespmem:s23+$0xD0]  }
0x2cc: {  	v1 =	vadd.f32 v1, v58;
	[tilespmem:s22+$0x30] =	vst v3;
	v3 =	vld [tilespmem:s8+$0xFFFFFFE0]  }
0x2cd: {  	v60 =	vld [tilespmem:s23+$0x40]  }
0x2ce: {  	[tilespmem:s22+$0xFFFFFF40] =	vst v1;
	v1 =	vadd.f32 v59, v4;
	v4 =	vld [tilespmem:s8+$0xFFFFFF50]  }
0x2cf: {  	v61 =	vld [tilespmem:s23+$0xFFFFFF50]  }
0x2d0: {  	v8 =	vadd.f32 v43, v8;
	v62 =	vld [tilespmem:s8+$0xFFFFFE60];
	[tilespmem:s22+$0xFFFFFFC0] =	vst v1  }
0x2d1: {  	v63 =	vld [tilespmem:s23+$0xFFFFFFD0];
	v1 =	vadd.f32 v3, v2  }
0x2d2: {  	[tilespmem:s6+$0xF0] =	vst v8;
	v2 =	vadd.f32 v50, v5;
	v5 =	vld [tilespmem:s8+$0xFFFFFEE0]  }
0x2d3: {  	v3 =	vadd.f32 v4, v60;
	[tilespmem:s22+$0xD0] =	vst v1;
	v1 =	vld [tilespmem:s25+$0xFFFFFF80]  }
0x2d4: {  	v4 =	vadd.f32 v7, v6;
	[tilespmem:s6+$0xFFFFFF70] =	vst v2;
	v2 =	vld [tilespmem:s23+$0xE0]  }
0x2d5: {  	v6 =	vadd.f32 v62, v61;
	[tilespmem:s22+$0x40] =	vst v3;
	v3 =	vld [tilespmem:s8+$0xFFFFFFF0]  }
0x2d6: {  	s12 =	sor.u32 $0x3, s12;
	[tilespmem:s6+$0xFFFFFFF0] =	vst v4;
	v4 =	vld [tilespmem:s23+$0x50]  }
0x2d7: {  	s9 =	simm.s32 $0x12B00;
	s15 =	sadd.s32 $0x4, s17;
	s25 =	simm.s32 $0x4;
	[tilespmem:s22+$0xFFFFFF50] =	vst v6;
	v6 =	vadd.f32 v5, v63;
	v5 =	vld [tilespmem:s8+$0xFFFFFF60]  }
.LBB2_9:
0x2d8: {  	s17 =	smulhi.u32 $0x51EB851F, s15;
	v7 =	vld [tilespmem:s23+$0xFFFFFF60];
	v0 =	vadd.f32 v1, v0  }
0x2d9: {  	v1 =	vld [tilespmem:s8+$0xFFFFFE70];
	[tilespmem:s22+$0xFFFFFFD0] =	vst v6  }
0x2da: {  	s17 =	sshrl.u32 s17, $0x6;
	v6 =	vld [tilespmem:s23+$0xFFFFFFE0];
	v2 =	vadd.f32 v3, v2;
	[tilespmem:s6+$0x70] =	vst v0;
	s6 =	smov.u32 s22  }
0x2db: {  	s23 =	sadd.s32 $0x200, s23;
	s17 =	smul.u32 $0xFFFE7000, s17;
	v0 =	vld [tilespmem:s8+$0xFFFFFEF0]  }
0x2dc: {  	v3 =	vld [tilespmem:s23+$0x80];
	v4 =	vadd.f32 v5, v4;
	[tilespmem:s22+$0xE0] =	vst v2  }
0x2dd: {  	s24 =	sadd.s32 $0x200, s24;
	s17 =	sshra.s32 s17, $0x2;
	v2 =	vld [tilespmem:s9+$0xF0]  }
0x2de: {  	s17 =	sadd.s32 s17, s24;
	v1 =	vadd.f32 v1, v7;
	[tilespmem:s22+$0x50] =	vst v4;
	v4 =	vld [tilespmem:s8+$0x0]  }
0x2df: {  	s25 =	sadd.s32 $0x4, s25;
	v5 =	vld [tilespmem:s17+$0xFFFFFF90]  }
0x2e0: {  	p0 =	slt.u32 s25, $0x3C;
	v7 =	vld [tilespmem:s17+$0xFFFFFE10];
	[tilespmem:s22+$0xFFFFFF60] =	vst v1;
	v0 =	vadd.f32 v0, v6  }
0x2e1: {  	v1 =	vld [tilespmem:s17+$0xFFFFFE90]  }
0x2e2: {  	v6 =	vld [tilespmem:s17+$0xFFFFFF10];
	[tilespmem:s22+$0xFFFFFFE0] =	vst v0  }
0x2e3: {  	v0 =	vld [tilespmem:s23+$0xFFFFFF00];
	v2 =	vadd.f32 v4, v2  }
0x2e4: {  	v4 =	vld [tilespmem:s23+$0xFFFFFF80];
	v3 =	vadd.f32 v5, v3  }
0x2e5: {  	s22 =	sadd.s32 $0x200, s22;
	v5 =	vld [tilespmem:s23+$0x0];
	[tilespmem:s6+$0xF0] =	vst v2  }
0x2e6: {  	[tilespmem:s22+$0x80] =	vst v3;
	v2 =	vld [tilespmem:s9+$0x60]  }
0x2e7: {  	v3 =	vld [tilespmem:s23+$0x90]  }
0x2e8: {  	v0 =	vadd.f32 v7, v0;
	v7 =	vld [tilespmem:s17+$0xFFFFFFA0]  }
0x2e9: {  	v1 =	vadd.f32 v1, v4;
	v4 =	vld [tilespmem:s8+$0xFFFFFF70]  }
0x2ea: {  	[tilespmem:s22+$0xFFFFFF00] =	vst v0;
	v0 =	vadd.f32 v6, v5;
	v5 =	vld [tilespmem:s9+$0xFFFFFF70]  }
0x2eb: {  	v6 =	vld [tilespmem:s23+$0xFFFFFF10];
	[tilespmem:s22+$0xFFFFFF80] =	vst v1  }
0x2ec: {  	v1 =	vld [tilespmem:s17+$0xFFFFFE20];
	[tilespmem:s22+$0x0] =	vst v0  }
0x2ed: {  	v0 =	vld [tilespmem:s23+$0xFFFFFF90];
	v3 =	vadd.f32 v7, v3  }
0x2ee: {  	v7 =	vld [tilespmem:s17+$0xFFFFFEA0];
	v2 =	vadd.f32 v4, v2  }
0x2ef: {  	v4 =	vld [tilespmem:s23+$0x10];
	[tilespmem:s22+$0x90] =	vst v3  }
0x2f0: {  	v3 =	vld [tilespmem:s23+$0xA0];
	[tilespmem:s6+$0x60] =	vst v2  }
0x2f1: {  	v1 =	vadd.f32 v1, v6;
	v2 =	vld [tilespmem:s17+$0xFFFFFFB0]  }
0x2f2: {  	v6 =	vld [tilespmem:s17+$0xFFFFFF20]  }
0x2f3: {  	[tilespmem:s22+$0xFFFFFF10] =	vst v1;
	v0 =	vadd.f32 v7, v0;
	v1 =	vld [tilespmem:s8+$0xFFFFFE80]  }
0x2f4: {  	v7 =	vld [tilespmem:s23+$0xFFFFFF20]  }
0x2f5: {  	v8 =	vld [tilespmem:s17+$0xFFFFFE30];
	[tilespmem:s22+$0xFFFFFF90] =	vst v0  }
0x2f6: {  	v0 =	vld [tilespmem:s23+$0xFFFFFFA0];
	v2 =	vadd.f32 v2, v3  }
0x2f7: {  	v3 =	vld [tilespmem:s17+$0xFFFFFEB0];
	v4 =	vadd.f32 v6, v4  }
0x2f8: {  	[tilespmem:s22+$0xA0] =	vst v2;
	v1 =	vadd.f32 v1, v5;
	v2 =	vld [tilespmem:s9+$0xFFFFFFF0]  }
0x2f9: {  	[tilespmem:s22+$0x10] =	vst v4;
	v4 =	vld [tilespmem:s23+$0xB0]  }
0x2fa: {  	v5 =	vadd.f32 v8, v7;
	v6 =	vld [tilespmem:s17+$0xFFFFFFC0];
	[tilespmem:s6+$0xFFFFFF70] =	vst v1  }
0x2fb: {  	v1 =	vld [tilespmem:s23+$0x20]  }
0x2fc: {  	[tilespmem:s22+$0xFFFFFF20] =	vst v5;
	v0 =	vadd.f32 v3, v0;
	v3 =	vld [tilespmem:s17+$0xFFFFFF30]  }
0x2fd: {  	v5 =	vld [tilespmem:s23+$0xFFFFFF30]  }
0x2fe: {  	v7 =	vld [tilespmem:s17+$0xFFFFFE40];
	[tilespmem:s22+$0xFFFFFFA0] =	vst v0  }
0x2ff: {  	v0 =	vld [tilespmem:s23+$0xFFFFFFB0];
	v4 =	vadd.f32 v6, v4  }
0x300: {  	v6 =	vld [tilespmem:s17+$0xFFFFFEC0]  }
0x301: {  	v1 =	vadd.f32 v3, v1;
	[tilespmem:s22+$0xB0] =	vst v4;
	v3 =	vld [tilespmem:s8+$0xFFFFFF00]  }
0x302: {  	v4 =	vld [tilespmem:s23+$0xC0]  }
0x303: {  	v5 =	vadd.f32 v7, v5;
	[tilespmem:s22+$0x20] =	vst v1;
	v1 =	vld [tilespmem:s17+$0xFFFFFFD0]  }
0x304: {  	v7 =	vld [tilespmem:s23+$0x30]  }
0x305: {  	[tilespmem:s22+$0xFFFFFF30] =	vst v5;
	v0 =	vadd.f32 v6, v0;
	v5 =	vld [tilespmem:s17+$0xFFFFFF40]  }
0x306: {  	v6 =	vld [tilespmem:s23+$0xFFFFFF40];
	v2 =	vadd.f32 v3, v2  }
0x307: {  	v3 =	vld [tilespmem:s17+$0xFFFFFE50];
	[tilespmem:s22+$0xFFFFFFB0] =	vst v0  }
0x308: {  	v8 =	vld [tilespmem:s23+$0xFFFFFFC0];
	v0 =	vadd.f32 v1, v4;
	[tilespmem:s6+$0xFFFFFFF0] =	vst v2  }
0x309: {  	v1 =	vld [tilespmem:s17+$0xFFFFFED0]  }
0x30a: {  	v2 =	vadd.f32 v5, v7;
	[tilespmem:s22+$0xC0] =	vst v0;
	v0 =	vld [tilespmem:s9+$0x70];
	s9 =	smov.u32 s23  }
0x30b: {  	v4 =	vld [tilespmem:s23+$0xD0]  }
0x30c: {  	v3 =	vadd.f32 v3, v6;
	[tilespmem:s22+$0x30] =	vst v2;
	v2 =	vld [tilespmem:s17+$0xFFFFFFE0]  }
0x30d: {  	v5 =	vld [tilespmem:s23+$0x40]  }
0x30e: {  	[tilespmem:s22+$0xFFFFFF40] =	vst v3;
	v1 =	vadd.f32 v1, v8;
	v3 =	vld [tilespmem:s17+$0xFFFFFF50]  }
0x30f: {  	v6 =	vld [tilespmem:s23+$0xFFFFFF50]  }
0x310: {  	v7 =	vld [tilespmem:s17+$0xFFFFFE60];
	[tilespmem:s22+$0xFFFFFFC0] =	vst v1  }
0x311: {  	v8 =	vld [tilespmem:s23+$0xFFFFFFD0];
	v1 =	vadd.f32 v2, v4  }
0x312: {  	v9 =	vld [tilespmem:s17+$0xFFFFFEE0]  }
.Ltmp3:
0x313: {  	v3 =	vadd.f32 v3, v5;
	[tilespmem:s22+$0xD0] =	vst v1;
	v1 =	vld [tilespmem:s8+$0xFFFFFF80];
	s8 =	smov.u32 s17;
	(pc) =	sbr.rel @p0 .LBB2_9-.Ltmp3, $4  }
0x314: {  	v2 =	vld [tilespmem:s23+$0xE0]  }
0x315: {  	v5 =	vadd.f32 v7, v6;
	[tilespmem:s22+$0x40] =	vst v3;
	v3 =	vld [tilespmem:s8+$0xFFFFFFF0]  }
0x316: {  	v4 =	vld [tilespmem:s23+$0x50]  }
0x317: {  	s15 =	sadd.s32 $0x4, s15;
	[tilespmem:s22+$0xFFFFFF50] =	vst v5;
	v6 =	vadd.f32 v9, v8;
	v5 =	vld [tilespmem:s8+$0xFFFFFF60]  }
0x318: {  	_ =	sdelay $0x2  }
0x319: {  	v7 =	vld [tilespmem:s23+$0xFFFFFF60]  }
0x31a: {  	v8 =	vld [tilespmem:s8+$0xFFFFFE70];
	[tilespmem:s22+$0xFFFFFFD0] =	vst v6;
	v4 =	vadd.f32 v5, v4  }
0x31b: {  	v48 =	vld [tilespmem:s23+$0xFFFFFFE0]  }
0x31c: {  	v6 =	vld [tilespmem:s8+$0xFFFFFEF0];
	[tilespmem:s22+$0x50] =	vst v4  }
0x31d: {  	v2 =	vadd.f32 v3, v2;
	v49 =	vld [tilespmem:s9+$0x60]  }
0x31e: {  	v4 =	vld [tilespmem:s8+$0xFFFFFF70]  }
0x31f: {  	[tilespmem:s22+$0xE0] =	vst v2;
	v50 =	vadd.f32 v8, v7  }
0x320: {  	v51 =	vld [tilespmem:s9+$0xF0]  }
0x321: {  	v52 =	vld [tilespmem:s8+$0x0];
	[tilespmem:s22+$0xFFFFFF60] =	vst v50;
	v53 =	vadd.f32 v6, v48  }
0x322: {  	v54 =	vld [tilespmem:s9+$0xFFFFFF70]  }
0x323: {  	v56 =	vld [tilespmem:s8+$0xFFFFFE80];
	[tilespmem:s22+$0xFFFFFFE0] =	vst v53;
	v55 =	vadd.f32 v4, v49  }
0x324: {  	v57 =	vld [tilespmem:s9+$0xFFFFFFF0]  }
0x325: {  	v58 =	vld [tilespmem:s8+$0xFFFFFF00];
	[tilespmem:s22+$0x60] =	vst v55  }
0x326: {  	v59 =	vld [tilespmem:s9+$0x70]  }
0x327: {  	v9 =	vld [tilespmem:s8+$0xFFFFFF80]  }
0x328: {  	v0 =	vadd.f32 v1, v0  }
0x329: {  	v60 =	vadd.f32 v52, v51  }
0x32a: {  	[tilespmem:s6+$0x70] =	vst v0;
	v61 =	vadd.f32 v56, v54  }
0x32b: {  	[tilespmem:s22+$0xF0] =	vst v60;
	v62 =	vadd.f32 v58, v57  }
0x32c: {  	s11 =	sadd.s32 $0x1, s11;
	[tilespmem:s22+$0xFFFFFF70] =	vst v61;
	v63 =	vadd.f32 v9, v59  }
0x32d: {  	s26 =	sshll.u32 s12, $0xD;
	p0 =	sne.s32 s11, $0x64;
	[tilespmem:s22+$0xFFFFFFF0] =	vst v62  }
0x32e: {  	s6 =	sadd.s32 @!p1 $0x1C0, s13;
	s8 =	simm.s32 @!p1 $0x40;
	s9 =	simm.s32 @!p1 $0x12800;
	[tilespmem:s22+$0x70] =	vst v63  }
0x32f: {  	[tilespmem:s9], [sflag:$0x4] =	stream.indirect.gather @!p1 [hbm4b:s1+s8], $0x80, s6, s8, $0xb8;
	[tilespmem:$0x1C800] =	vst v63  }
.Ltmp4:
0x330: {  	s31 =	sadd.s32 $0x8000, s31;
	s10 =	sadd.s32 $0x100, s10;
	(pc) =	sbr.rel @p0 .LBB2_2-.Ltmp4, $4  }
0x331: {  	s3 =	sadd.s32 $0x20000, s3;
	s28 =	sadd.s32 $0x100, s28;
	s6 =	sadd.s32 s7, s26  }
0x332: {  	s0 =	sadd.s32 $0x8000, s0;
	s29 =	sadd.s32 $0x100, s29;
	s6 =	sshrl.u32 s6, $0x3  }
0x333: {  	s2 =	sadd.s32 $0x8000, s2;
	s30 =	sadd.s32 $0x100, s30;
	s6 =	sadd.s32 s4, s6  }
0x334: {  	[hbm4b:s6+s5] =	stream.linear.scatter [tilespmem:s21], [sflag:$0x8], $0x2000, $0x38;
	[tilespmem:$0x1C800] =	vst v63  }
0x335: {  	s0 =	simm.s32 $0x5  }
0x336: {  	_ =	swait.ge [sflag:s0], $0x2000  }
0x337: {  	[sflag:s0] =	ssyncset.done $0x0  }
0x338: {  	s29 =	simm.s32 $0x6;
	[sflag:s0] =	ssyncadd.s32 $0xFFFFE000  }
0x339: {  	_ =	swait.ge [sflag:s29], $0x2000  }
0x33a: {  	[sflag:s29] =	ssyncset.done $0x0  }
0x33b: {  	s30 =	simm.s32 $0x7;
	[sflag:s29] =	ssyncadd.s32 $0xFFFFE000  }
0x33c: {  	_ =	swait.ge [sflag:s30], $0x2000  }
0x33d: {  	[sflag:s30] =	ssyncset.done $0x0  }
0x33e: {  	s2 =	simm.s32 $0x8;
	[sflag:s30] =	ssyncadd.s32 $0xFFFFE000  }
0x33f: {  	_ =	swait.ge [sflag:s2], $0x2000  }
0x340: {  	s3 =	rddreg [dreg:$0x7]  }
0x341: {  	s31 =	rddreg [dreg:$0x6];
	s3 =	sadd.s32 $0x1, s3  }
0x342: {  	p0 =	sne.s32 s3, s31  }
.Ltmp5:
0x343: {  	_ = 	snop;
	(pc) =	sbr.rel @p0 .LBB2_1-.Ltmp5, $3  }
0x344: {  	_ =	sdelay $0x1  }
0x345: {  	[sflag:s2] =	ssyncset.done $0x0  }
0x346: {  	[sflag:s2] =	ssyncadd.s32 $0xFFFFE000  }
0x347: {  	_ =	sfence.sel $0x180000  }
0x348: {  	[bflag:$0x0] =	sbarrier.arrive $0xFFFF  }
0x349: {  	_ =	strace $0x90000047  }
0x34a: {  	s0 =	stileid.u32;
	[bflag:$0x2] =	sbarrier.arrive $0xFFFF  }
0x34b: {  	p0 =	sne.s32 s0, $0x0;
	s0 =	rddreg [dreg:$0x4]  }
0x34c: {  	s0 =	sadd.s32 @!p0 $0x100000, s0  }
0x34d: {  	[sflag:s0] =	ssyncadd.tile.s32 @!p0 $0x1;
	_ =	shalt  }
.Lfunc_end2:
_tile_overlayer_lowered:
.L_overlay_start_2:
0x34e: {  	(tag) =	ssettag $0x2  }
0x34f: {  	s0 =	rddreg [dreg:$0x0];
	s2 =	stileid.u32  }
0x350: {  	s1 =	rddreg [dreg:$0x1];
	p0 =	sne.s32 s2, $0x0  }
0x351: {  	s3 =	rddreg [dreg:$0x2];
	[bflag:$0x3] =	sbarrier.arrive $0xFFFF;
	s2 =	simm.s32 @!p0 $0x1C09  }
0x352: {  	[timem:s3], [sflag:s2] =	dma.local @!p0 [hbm:s0], s1  }
0x353: {  	s0 =	simm.s32 @!p0 $0x9  }
0x354: {  	_ =	swait.ge @!p0 [sflag:s0], s1  }
0x355: {  	s1 =	ssub.s32 @!p0 $0x0, s1;
	[sflag:s0] =	ssyncset.done @!p0 $0x0  }
0x356: {  	[sflag:s0] =	ssyncadd.s32 @!p0 s1  }
0x357: {  	[bflag:$0x3] =	sbarrier.arrive $0xFFFF  }
0x358: {  	_ =	shalt  }

</sc_bundles>
